<compile_context>
chip_gen: v7x
topology: tpu7x:2x2x1
jax: 0.10.2.dev20260603
libtpu: 0.0.44.dev20260713+nightly
codegen_flags: <defaults>
</compile_context>

<pallas_src>
import functools

import jax
import jax.numpy as jnp
from jax import lax
from jax.experimental import pallas as pl
from jax.experimental.pallas import tpu as pltpu
from jax.experimental.pallas import tpu_sc as plsc

H = 384
W = 384
B = 2
C = 3
K = 49
NW = 6
NCORES = 2
NSUB = 16
NROW = H // NSUB
NP = NROW * W
SUB = 192
SUBS_PER_ROW = W // SUB
NSUBCH = NP // SUB
NGRP = NSUBCH // 4
PLANE = H * W
TABW = PLANE * NW
CHUNKW = SUB * NW
SCALE = float(W) / float(W - 1)

_mesh = plsc.VectorSubcoreMesh(core_axis_name="c", subcore_axis_name="s",
                               num_cores=NCORES, num_subcores=NSUB)


@functools.partial(
    pl.kernel,
    out_type=jax.ShapeDtypeStruct((B * C * H * W,), jnp.float32),
    mesh=_mesh,
    scratch_types=[
        pltpu.VMEM_SHARED((TABW,), jnp.int32),
        pltpu.VMEM((NP,), jnp.float32),
        pltpu.VMEM((NP,), jnp.float32),
        pltpu.VMEM((NP,), jnp.float32),
        pltpu.VMEM((C * NP,), jnp.float32),
        pltpu.VMEM((8 * CHUNKW,), jnp.int32),
        pltpu.VMEM((8 * SUB,), jnp.int32),
        pltpu.VMEM((8 * SUB,), jnp.float32),
        pltpu.VMEM((8 * SUB,), jnp.float32),
        pltpu.VMEM((W,), jnp.float32),
        pltpu.VMEM((NROW * 16,), jnp.float32),
        pltpu.SemaphoreType.DMA,
        pltpu.SemaphoreType.DMA,
    ],
)
def _adacof_sc(tab0, tab1, offs, wts, out, sptab, dxb, dyb, wtb, acc, colb,
               idxb, wxb, wyb, cxf, ryf, gsem0, gsem1):
    cid = lax.axis_index("c")
    sid = lax.axis_index("s")
    b = cid
    r0 = sid * NROW
    slab0 = r0 * W
    iota = lax.iota(jnp.int32, 16)
    gsems = (gsem0, gsem1)

    fillw = TABW // NSUB
    FCH = fillw // 12

    @pl.when(b == 0)
    def _():
        def _fill_body(i, carry):
            fo = sid * fillw + i * FCH
            pltpu.sync_copy(tab0.at[pl.ds(fo, FCH)], colb.at[pl.ds(0, FCH)])
            pltpu.sync_copy(colb.at[pl.ds(0, FCH)], sptab.at[pl.ds(fo, FCH)])
            return carry
        lax.fori_loop(0, 12, _fill_body, 0)

    @pl.when(b != 0)
    def _():
        def _fill_body(i, carry):
            fo = sid * fillw + i * FCH
            pltpu.sync_copy(tab1.at[pl.ds(fo, FCH)], colb.at[pl.ds(0, FCH)])
            pltpu.sync_copy(colb.at[pl.ds(0, FCH)], sptab.at[pl.ds(fo, FCH)])
            return carry
        lax.fori_loop(0, 12, _fill_body, 0)
    plsc.subcore_barrier()

    def _cx_body(g, carry):
        cxf[pl.ds(g * 16, 16)] = ((iota + g * 16).astype(jnp.float32)
                                  * SCALE - 0.5)
        return carry
    lax.fori_loop(0, W // 16, _cx_body, 0)

    def _ry_body(r, carry):
        ryf[pl.ds(r * 16, 16)] = (jnp.broadcast_to(r0 + r, (16,)).astype(
            jnp.float32) * SCALE - 0.5)
        return carry
    lax.fori_loop(0, NROW, _ry_body, 0)

    zero16 = jnp.zeros((16,), jnp.float32)

    def _z_body(i, carry):
        acc[pl.ds(i * 16, 16)] = zero16
        return carry
    lax.fori_loop(0, C * NP // 16, _z_body, 0)

    def slab_load(t):
        ob = b * (2 * K * PLANE)
        cps = (
            pltpu.make_async_copy(
                offs.at[pl.ds(ob + (2 * t) * PLANE + slab0, NP)],
                dxb.at[pl.ds(0, NP)], gsem0),
            pltpu.make_async_copy(
                offs.at[pl.ds(ob + (2 * t + 1) * PLANE + slab0, NP)],
                dyb.at[pl.ds(0, NP)], gsem0),
            pltpu.make_async_copy(
                wts.at[pl.ds(b * K * PLANE + t * PLANE + slab0, NP)],
                wtb.at[pl.ds(0, NP)], gsem0),
        )
        for cp in cps:
            cp.start()
        for cp in cps:
            cp.wait()

    def idx_phase(s, slot):
        r = s // SUBS_PER_ROW
        col0 = (s - r * SUBS_PER_ROW) * SUB
        so = s * SUB
        ro = slot * SUB
        io = slot * CHUNKW

        def g_body(gg, carry):
            yv = ryf[pl.ds(r * 16, 16)]
            for u in range(2):
                g16 = gg * 32 + u * 16
                dxv = dxb[pl.ds(so + g16, 16)]
                dyv = dyb[pl.ds(so + g16, 16)]
                xv = cxf[pl.ds(col0 + g16, 16)]
                fx = xv + dxv * SCALE
                fx = jnp.minimum(jnp.maximum(fx, 0.0), float(W - 1))
                fy = yv + dyv * SCALE
                fy = jnp.minimum(jnp.maximum(fy, 0.0), float(H - 1))
                ix0 = fx.astype(jnp.int32)
                iy0 = fy.astype(jnp.int32)
                wxb[pl.ds(ro + g16, 16)] = fx - ix0.astype(jnp.float32)
                wyb[pl.ds(ro + g16, 16)] = fy - iy0.astype(jnp.float32)
                idxb[pl.ds(ro + g16, 16)] = iy0 * W + ix0
            return carry
        lax.fori_loop(0, SUB // 32, g_body, 0)

    def gather_copies(slot):
        idxr = idxb.at[pl.ds(slot * SUB, SUB)]
        return [pltpu.make_async_copy(
            sptab.at[pl.ds(c * PLANE, PLANE)].at[idxr],
            colb.at[pl.ds(slot * CHUNKW + c * SUB, SUB)], gsem0)
            for c in range(NW)]

    def combine(s, slot):
        so = s * SUB
        ro = slot * SUB
        io = slot * CHUNKW

        def g_body(gg, carry):
          for u in range(2):
            g16 = gg * 32 + u * 16
            if True:
                wx1 = wxb[pl.ds(ro + g16, 16)]
                wy1 = wyb[pl.ds(ro + g16, 16)]
                wgt = wtb[pl.ds(so + g16, 16)]
                top = wgt - wgt * wy1
                bot = wgt * wy1
                p01 = top * wx1
                p00 = top - p01
                p11 = bot * wx1
                p10 = bot - p11
                himask = jnp.int32(-65536)
                words = [colb[pl.ds(io + m * SUB + g16, 16)]
                         for m in range(NW)]
                vals = []
                for j in range(12):
                    w = words[j // 2]
                    if j % 2 == 0:
                        vals.append(lax.bitcast_convert_type(w << 16,
                                                             jnp.float32))
                    else:
                        vals.append(lax.bitcast_convert_type(w & himask,
                                                             jnp.float32))
                rgbs = [(vals[3 * k], vals[3 * k + 1], vals[3 * k + 2])
                        for k in range(4)]
                for c in range(C):
                    contrib = (p00 * rgbs[0][c] + p01 * rgbs[1][c]
                               + p10 * rgbs[2][c] + p11 * rgbs[3][c])
                    ao = c * NP + s * SUB + g16
                    acc[pl.ds(ao, 16)] = acc[pl.ds(ao, 16)] + contrib
          return carry
        lax.fori_loop(0, SUB // 32, g_body, 0)

    def tap_body(t, carry):
        slab_load(t)

        def pip_body(m, carry2):
            @pl.when(m < NGRP)
            def _():
                half = (m % 2) * 4

                def fire(j, c3):
                    idx_phase(4 * m + j, half + j)
                    for cp in gather_copies(half + j):
                        cp.start()
                    return c3
                lax.fori_loop(0, 4, fire, 0)

            @pl.when(m >= 1)
            def _():
                phalf = ((m - 1) % 2) * 4

                def drain(j, c3):
                    for cp in gather_copies(phalf + j):
                        cp.wait()
                    combine(4 * (m - 1) + j, phalf + j)
                    return c3
                lax.fori_loop(0, 4, drain, 0)
            return carry2
        lax.fori_loop(0, NGRP + 1, pip_body, 0)
        return carry
    lax.fori_loop(0, K, tap_body, 0)

    WCH = 768

    def _wb_body(i, carry):
        c = i // (NP // WCH)
        j = i - c * (NP // WCH)
        pltpu.sync_copy(
            acc.at[pl.ds(c * NP + j * WCH, WCH)],
            out.at[pl.ds((b * C + c) * PLANE + slab0 + j * WCH, WCH)])
        return carry
    lax.fori_loop(0, C * (NP // WCH), _wb_body, 0)


def _build_word_table(image):
    imgp = jnp.pad(image, ((0, 0), (0, 0), (0, 1), (0, 1)), mode="edge")
    imgp = imgp.astype(jnp.bfloat16)
    planes = [imgp[:, :, :H, :W], imgp[:, :, :H, 1:],
              imgp[:, :, 1:, :W], imgp[:, :, 1:, 1:]]

    def u32(x):
        return lax.bitcast_convert_type(x, jnp.uint16).astype(jnp.uint32)

    vals = [p[:, ch] for p in planes for ch in range(C)]
    words = [u32(vals[2 * m]) | (u32(vals[2 * m + 1]) << 16)
             for m in range(NW)]
    tab = jnp.concatenate([w.reshape(B, H * W) for w in words], axis=1)
    return lax.bitcast_convert_type(tab, jnp.int32).reshape(B * NW * H * W)


def kernel(image, offsets, weights):
    tabw = _build_word_table(image)
    offs = offsets.reshape(B * 2 * K * PLANE)
    wts = weights.reshape(B * K * PLANE)
    flat = _adacof_sc(tabw[:TABW], tabw[TABW:], offs, wts)
    return flat.reshape(B, C, H, W)

# --- scband reference (transcript-rebuilt; emitter-appended) ---
"""Pipeline reference for scband-ada-co-fsampler-74835510166119 (READ-ONLY COPY).

The authoritative reference and input builder live on the scoring server;
editing this copy changes nothing except your own understanding.
"""

import jax, jax.numpy as jnp
import numpy as np

K2 = 49

def _grid_sample_bilinear_border(img, gx, gy):
    # img: (B,C,H,W); gx, gy: (B,H,W) normalized coords in [-1,1]
    B, C, H, W = img.shape
    # align_corners=False unnormalization (matches F.grid_sample default in module)
    ix = ((gx + 1.0) * W - 1.0) / 2.0
    iy = ((gy + 1.0) * H - 1.0) / 2.0
    # padding_mode='border': clip source coords
    ix = jnp.clip(ix, 0.0, W - 1.0)
    iy = jnp.clip(iy, 0.0, H - 1.0)
    ix0 = jnp.floor(ix)
    iy0 = jnp.floor(iy)
    wx1 = ix - ix0
    wy1 = iy - iy0
    wx0 = 1.0 - wx1
    wy0 = 1.0 - wy1
    ix0c = jnp.clip(ix0, 0, W - 1).astype(jnp.int32)
    ix1c = jnp.clip(ix0 + 1.0, 0, W - 1).astype(jnp.int32)
    iy0c = jnp.clip(iy0, 0, H - 1).astype(jnp.int32)
    iy1c = jnp.clip(iy0 + 1.0, 0, H - 1).astype(jnp.int32)
    bidx = jnp.arange(B)[:, None, None]
    # gathers -> (B,H,W,C)
    g00 = img[bidx, :, iy0c, ix0c]
    g01 = img[bidx, :, iy0c, ix1c]
    g10 = img[bidx, :, iy1c, ix0c]
    g11 = img[bidx, :, iy1c, ix1c]
    out = (wy0[..., None] * (wx0[..., None] * g00 + wx1[..., None] * g01)
           + wy1[..., None] * (wx0[..., None] * g10 + wx1[..., None] * g11))
    return jnp.transpose(out, (0, 3, 1, 2))

def _adacof_forward(image, offsets, weights):
    b, c, h, w = image.shape
    y = jnp.arange(h, dtype=jnp.float32)
    x = jnp.arange(w, dtype=jnp.float32)
    grid_y, grid_x = jnp.meshgrid(y, x, indexing='ij')
    grid_x = grid_x[None]  # (1,H,W) broadcasts over batch
    grid_y = grid_y[None]
    output = jnp.zeros((b, c, h, w), dtype=image.dtype)
    for i in range(K2):
        dx = offsets[:, 2 * i]      # (B,H,W)
        dy = offsets[:, 2 * i + 1]  # (B,H,W)
        w_i = weights[:, i][:, None]  # (B,1,H,W)
        sample_x = grid_x + dx
        sample_y = grid_y + dy
        gx = 2.0 * sample_x / (w - 1) - 1.0
        gy = 2.0 * sample_y / (h - 1) - 1.0
        sampled = _grid_sample_bilinear_border(image, gx, gy)
        output = output + w_i * sampled
    return output

def setup_inputs(seed: int = 0) -> dict:
    key = jax.random.key(seed)
    k1, k2, k3 = jax.random.split(key, 3)
    image = jax.random.normal(k1, (2, 3, 384, 384), dtype=jnp.float32)
    offsets = jax.random.normal(k2, (2, 98, 384, 384), dtype=jnp.float32)
    weights = jax.random.uniform(k3, (2, 49, 384, 384), dtype=jnp.float32)
    return {"image": image, "offsets": offsets, "weights": weights}

def reference(image, offsets, weights):
    return _adacof_forward(image, offsets, weights)

if __name__ == "__main__":
    import jax
    _d = setup_inputs()
    print(jax.jit(kernel)(*tuple(_d.values())))

</pallas_src>

<mosaic_0001>
#map = affine_map<(d0, d1) -> (0)>
module attributes {stable_mosaic.version = 14 : i64} {
  func.func @_adacof_sc(%arg0: i32, %arg1: i32, %arg2: memref<884736xi32, #tpu.memory_space<hbm>>, %arg3: memref<884736xi32, #tpu.memory_space<hbm>>, %arg4: memref<28901376xf32, #tpu.memory_space<hbm>>, %arg5: memref<14450688xf32, #tpu.memory_space<hbm>>, %arg6: memref<884736xf32, #tpu.memory_space<hbm>>, %arg7: memref<884736xi32, #tpu.memory_space<vmem_shared>>, %arg8: memref<9216xf32, #tpu.memory_space<vmem>>, %arg9: memref<9216xf32, #tpu.memory_space<vmem>>, %arg10: memref<9216xf32, #tpu.memory_space<vmem>>, %arg11: memref<27648xf32, #tpu.memory_space<vmem>>, %arg12: memref<9216xi32, #tpu.memory_space<vmem>>, %arg13: memref<1536xi32, #tpu.memory_space<vmem>>, %arg14: memref<1536xf32, #tpu.memory_space<vmem>>, %arg15: memref<1536xf32, #tpu.memory_space<vmem>>, %arg16: memref<384xf32, #tpu.memory_space<vmem>>, %arg17: memref<384xf32, #tpu.memory_space<vmem>>, %arg18: memref<!tpu.dma_semaphore, #tpu.memory_space<semaphore_mem>>, %arg19: memref<!tpu.dma_semaphore, #tpu.memory_space<semaphore_mem>>) attributes {dimension_semantics = [#tpu.dimension_semantics<core_parallel>, #tpu.dimension_semantics<subcore_parallel>], iteration_bounds = array<i64: 2, 16>, scalar_prefetch = 0 : i64, scratch_operands = 13 : i64, tpu.core_type = #tpu.core_type<sc_vector_subcore>, window_params = [{transform_indices = #map}, {transform_indices = #map}, {transform_indices = #map}, {transform_indices = #map}, {transform_indices = #map}]} {
    %mul3A = arith.constant 24 : i32
    %mul3A_0 = arith.muli %arg1, %mul3A : i32
    %mul3A_1 = arith.constant 384 : i32
    %mul3A_2 = arith.muli %mul3A_0, %mul3A_1 : i32
    %iota3A = tpu.iota {dimensions = array<i32: 0>} : vector<16xi32>
    %eq3A = arith.constant 0 : i32
    %eq3A_3 = arith.cmpi eq, %arg0, %eq3A : i32
    %convert_element_type3A = arith.extui %eq3A_3 : i1 to i32
    %cond3A = arith.constant 0 : i32
    %cond3A_4 = arith.cmpi ne, %convert_element_type3A, %cond3A : i32
    scf.if %cond3A_4 {
      %scan3A_39 = arith.constant 0 : i32
      %scan3A_40 = arith.constant 0 : i32
      %scan3A_41 = arith.constant 12 : i32
      %scan3A_42 = arith.addi %scan3A_40, %scan3A_41 : i32
      %scan3A_43 = arith.constant 1 : i32
      scf.for %scan3A_45 = %scan3A_40 to %scan3A_42 step %scan3A_43  : i32 {
        %mul3A_46 = arith.constant 55296 : i32
        %mul3A_47 = arith.muli %arg1, %mul3A_46 : i32
        %mul3A_48 = arith.constant 4608 : i32
        %mul3A_49 = arith.muli %scan3A_45, %mul3A_48 : i32
        %add3A = arith.addi %mul3A_47, %mul3A_49 : i32
        "tpu.region"() ({
          %run_scoped3A = tpu.sem_alloc : memref<!tpu.dma_semaphore, #tpu.memory_space<semaphore_mem>>
          %dma_start3A = arith.constant 0 : i32
          %dma_start3A_50 = tpu.memref_slice %arg12[%dma_start3A] : memref<9216xi32, #tpu.memory_space<vmem>> -> memref<4608xi32, #tpu.memory_space<vmem>>
          %dma_start3A_51 = tpu.memref_slice %arg2[%add3A] : memref<884736xi32, #tpu.memory_space<hbm>> -> memref<4608xi32, #tpu.memory_space<hbm>>
          %dma_start3A_52 = arith.constant 0 : i32
          %dma_start3A_53 = tpu.memref_slice %arg12[%dma_start3A_52] : memref<9216xi32, #tpu.memory_space<vmem>> -> memref<4608xi32, #tpu.memory_space<vmem>>
          %dma_start3A_54 = tpu.memref_slice %arg2[%add3A] : memref<884736xi32, #tpu.memory_space<hbm>> -> memref<4608xi32, #tpu.memory_space<hbm>>
          tpu.enqueue_dma source(%dma_start3A_54 : memref<4608xi32, #tpu.memory_space<hbm>>) target(%dma_start3A_53 : memref<4608xi32, #tpu.memory_space<vmem>>) target_semaphore(%run_scoped3A : memref<!tpu.dma_semaphore, #tpu.memory_space<semaphore_mem>>)
          %dma_wait3A = arith.constant 0 : i32
          %dma_wait3A_55 = tpu.memref_slice %arg12[%dma_wait3A] : memref<9216xi32, #tpu.memory_space<vmem>> -> memref<4608xi32, #tpu.memory_space<vmem>>
          %dma_wait3A_56 = tpu.memref_slice %arg2[%add3A] : memref<884736xi32, #tpu.memory_space<hbm>> -> memref<4608xi32, #tpu.memory_space<hbm>>
          %dma_wait3A_57 = arith.constant 0 : i32
          %dma_wait3A_58 = tpu.memref_slice %arg12[%dma_wait3A_57] : memref<9216xi32, #tpu.memory_space<vmem>> -> memref<4608xi32, #tpu.memory_space<vmem>>
          %dma_wait3A_59 = tpu.memref_slice %arg2[%add3A] : memref<884736xi32, #tpu.memory_space<hbm>> -> memref<4608xi32, #tpu.memory_space<hbm>>
          tpu.wait_dma2 semaphore(%run_scoped3A : memref<!tpu.dma_semaphore, #tpu.memory_space<semaphore_mem>>) src(%dma_wait3A_59 : memref<4608xi32, #tpu.memory_space<hbm>>) dst(%dma_wait3A_58 : memref<4608xi32, #tpu.memory_space<vmem>>)
          tpu.yield
        }) : () -> ()
        "tpu.region"() ({
          %run_scoped3A = tpu.sem_alloc : memref<!tpu.dma_semaphore, #tpu.memory_space<semaphore_mem>>
          %dma_start3A = arith.constant 0 : i32
          %dma_start3A_50 = tpu.memref_slice %arg12[%dma_start3A] : memref<9216xi32, #tpu.memory_space<vmem>> -> memref<4608xi32, #tpu.memory_space<vmem>>
          %dma_start3A_51 = tpu.memref_slice %arg7[%add3A] : memref<884736xi32, #tpu.memory_space<vmem_shared>> -> memref<4608xi32, #tpu.memory_space<vmem_shared>>
          %dma_start3A_52 = tpu.memref_slice %arg7[%add3A] : memref<884736xi32, #tpu.memory_space<vmem_shared>> -> memref<4608xi32, #tpu.memory_space<vmem_shared>>
          %dma_start3A_53 = arith.constant 0 : i32
          %dma_start3A_54 = tpu.memref_slice %arg12[%dma_start3A_53] : memref<9216xi32, #tpu.memory_space<vmem>> -> memref<4608xi32, #tpu.memory_space<vmem>>
          tpu.enqueue_dma source(%dma_start3A_54 : memref<4608xi32, #tpu.memory_space<vmem>>) target(%dma_start3A_52 : memref<4608xi32, #tpu.memory_space<vmem_shared>>) target_semaphore(%run_scoped3A : memref<!tpu.dma_semaphore, #tpu.memory_space<semaphore_mem>>)
          %dma_wait3A = arith.constant 0 : i32
          %dma_wait3A_55 = tpu.memref_slice %arg12[%dma_wait3A] : memref<9216xi32, #tpu.memory_space<vmem>> -> memref<4608xi32, #tpu.memory_space<vmem>>
          %dma_wait3A_56 = tpu.memref_slice %arg7[%add3A] : memref<884736xi32, #tpu.memory_space<vmem_shared>> -> memref<4608xi32, #tpu.memory_space<vmem_shared>>
          %dma_wait3A_57 = tpu.memref_slice %arg7[%add3A] : memref<884736xi32, #tpu.memory_space<vmem_shared>> -> memref<4608xi32, #tpu.memory_space<vmem_shared>>
          %dma_wait3A_58 = arith.constant 0 : i32
          %dma_wait3A_59 = tpu.memref_slice %arg12[%dma_wait3A_58] : memref<9216xi32, #tpu.memory_space<vmem>> -> memref<4608xi32, #tpu.memory_space<vmem>>
          tpu.wait_dma2 semaphore(%run_scoped3A : memref<!tpu.dma_semaphore, #tpu.memory_space<semaphore_mem>>) src(%dma_wait3A_59 : memref<4608xi32, #tpu.memory_space<vmem>>) dst(%dma_wait3A_57 : memref<4608xi32, #tpu.memory_space<vmem_shared>>)
          tpu.yield
        }) : () -> ()
      }
      %scan3A_44 = arith.constant 12 : i32
    } else {
    }
    %ne3A = arith.constant 0 : i32
    %ne3A_5 = arith.cmpi ne, %arg0, %ne3A : i32
    %convert_element_type3A_6 = arith.extui %ne3A_5 : i1 to i32
    %cond3A_7 = arith.constant 0 : i32
    %cond3A_8 = arith.cmpi ne, %convert_element_type3A_6, %cond3A_7 : i32
    scf.if %cond3A_8 {
      %scan3A_39 = arith.constant 0 : i32
      %scan3A_40 = arith.constant 0 : i32
      %scan3A_41 = arith.constant 12 : i32
      %scan3A_42 = arith.addi %scan3A_40, %scan3A_41 : i32
      %scan3A_43 = arith.constant 1 : i32
      scf.for %scan3A_45 = %scan3A_40 to %scan3A_42 step %scan3A_43  : i32 {
        %mul3A_46 = arith.constant 55296 : i32
        %mul3A_47 = arith.muli %arg1, %mul3A_46 : i32
        %mul3A_48 = arith.constant 4608 : i32
        %mul3A_49 = arith.muli %scan3A_45, %mul3A_48 : i32
        %add3A = arith.addi %mul3A_47, %mul3A_49 : i32
        "tpu.region"() ({
          %run_scoped3A = tpu.sem_alloc : memref<!tpu.dma_semaphore, #tpu.memory_space<semaphore_mem>>
          %dma_start3A = arith.constant 0 : i32
          %dma_start3A_50 = tpu.memref_slice %arg12[%dma_start3A] : memref<9216xi32, #tpu.memory_space<vmem>> -> memref<4608xi32, #tpu.memory_space<vmem>>
          %dma_start3A_51 = tpu.memref_slice %arg3[%add3A] : memref<884736xi32, #tpu.memory_space<hbm>> -> memref<4608xi32, #tpu.memory_space<hbm>>
          %dma_start3A_52 = arith.constant 0 : i32
          %dma_start3A_53 = tpu.memref_slice %arg12[%dma_start3A_52] : memref<9216xi32, #tpu.memory_space<vmem>> -> memref<4608xi32, #tpu.memory_space<vmem>>
          %dma_start3A_54 = tpu.memref_slice %arg3[%add3A] : memref<884736xi32, #tpu.memory_space<hbm>> -> memref<4608xi32, #tpu.memory_space<hbm>>
          tpu.enqueue_dma source(%dma_start3A_54 : memref<4608xi32, #tpu.memory_space<hbm>>) target(%dma_start3A_53 : memref<4608xi32, #tpu.memory_space<vmem>>) target_semaphore(%run_scoped3A : memref<!tpu.dma_semaphore, #tpu.memory_space<semaphore_mem>>)
          %dma_wait3A = arith.constant 0 : i32
          %dma_wait3A_55 = tpu.memref_slice %arg12[%dma_wait3A] : memref<9216xi32, #tpu.memory_space<vmem>> -> memref<4608xi32, #tpu.memory_space<vmem>>
          %dma_wait3A_56 = tpu.memref_slice %arg3[%add3A] : memref<884736xi32, #tpu.memory_space<hbm>> -> memref<4608xi32, #tpu.memory_space<hbm>>
          %dma_wait3A_57 = arith.constant 0 : i32
          %dma_wait3A_58 = tpu.memref_slice %arg12[%dma_wait3A_57] : memref<9216xi32, #tpu.memory_space<vmem>> -> memref<4608xi32, #tpu.memory_space<vmem>>
          %dma_wait3A_59 = tpu.memref_slice %arg3[%add3A] : memref<884736xi32, #tpu.memory_space<hbm>> -> memref<4608xi32, #tpu.memory_space<hbm>>
          tpu.wait_dma2 semaphore(%run_scoped3A : memref<!tpu.dma_semaphore, #tpu.memory_space<semaphore_mem>>) src(%dma_wait3A_59 : memref<4608xi32, #tpu.memory_space<hbm>>) dst(%dma_wait3A_58 : memref<4608xi32, #tpu.memory_space<vmem>>)
          tpu.yield
        }) : () -> ()
        "tpu.region"() ({
          %run_scoped3A = tpu.sem_alloc : memref<!tpu.dma_semaphore, #tpu.memory_space<semaphore_mem>>
          %dma_start3A = arith.constant 0 : i32
          %dma_start3A_50 = tpu.memref_slice %arg12[%dma_start3A] : memref<9216xi32, #tpu.memory_space<vmem>> -> memref<4608xi32, #tpu.memory_space<vmem>>
          %dma_start3A_51 = tpu.memref_slice %arg7[%add3A] : memref<884736xi32, #tpu.memory_space<vmem_shared>> -> memref<4608xi32, #tpu.memory_space<vmem_shared>>
          %dma_start3A_52 = tpu.memref_slice %arg7[%add3A] : memref<884736xi32, #tpu.memory_space<vmem_shared>> -> memref<4608xi32, #tpu.memory_space<vmem_shared>>
          %dma_start3A_53 = arith.constant 0 : i32
          %dma_start3A_54 = tpu.memref_slice %arg12[%dma_start3A_53] : memref<9216xi32, #tpu.memory_space<vmem>> -> memref<4608xi32, #tpu.memory_space<vmem>>
          tpu.enqueue_dma source(%dma_start3A_54 : memref<4608xi32, #tpu.memory_space<vmem>>) target(%dma_start3A_52 : memref<4608xi32, #tpu.memory_space<vmem_shared>>) target_semaphore(%run_scoped3A : memref<!tpu.dma_semaphore, #tpu.memory_space<semaphore_mem>>)
          %dma_wait3A = arith.constant 0 : i32
          %dma_wait3A_55 = tpu.memref_slice %arg12[%dma_wait3A] : memref<9216xi32, #tpu.memory_space<vmem>> -> memref<4608xi32, #tpu.memory_space<vmem>>
          %dma_wait3A_56 = tpu.memref_slice %arg7[%add3A] : memref<884736xi32, #tpu.memory_space<vmem_shared>> -> memref<4608xi32, #tpu.memory_space<vmem_shared>>
          %dma_wait3A_57 = tpu.memref_slice %arg7[%add3A] : memref<884736xi32, #tpu.memory_space<vmem_shared>> -> memref<4608xi32, #tpu.memory_space<vmem_shared>>
          %dma_wait3A_58 = arith.constant 0 : i32
          %dma_wait3A_59 = tpu.memref_slice %arg12[%dma_wait3A_58] : memref<9216xi32, #tpu.memory_space<vmem>> -> memref<4608xi32, #tpu.memory_space<vmem>>
          tpu.wait_dma2 semaphore(%run_scoped3A : memref<!tpu.dma_semaphore, #tpu.memory_space<semaphore_mem>>) src(%dma_wait3A_59 : memref<4608xi32, #tpu.memory_space<vmem>>) dst(%dma_wait3A_57 : memref<4608xi32, #tpu.memory_space<vmem_shared>>)
          tpu.yield
        }) : () -> ()
      }
      %scan3A_44 = arith.constant 12 : i32
    } else {
    }
    %barrier3A = arith.constant 0 : index
    tpu.barrier barrier_id(%barrier3A)
    %scan3A = arith.constant 0 : i32
    %scan3A_9 = arith.constant 0 : i32
    %scan3A_10 = arith.constant 24 : i32
    %scan3A_11 = arith.addi %scan3A_9, %scan3A_10 : i32
    %scan3A_12 = arith.constant 1 : i32
    scf.for %scan3A_39 = %scan3A_9 to %scan3A_11 step %scan3A_12  : i32 {
      %mul3A_40 = arith.constant 16 : i32
      %mul3A_41 = arith.muli %scan3A_39, %mul3A_40 : i32
      %add3A = vector.broadcast %mul3A_41 : i32 to vector<16xi32>
      %add3A_42 = arith.addi %iota3A, %add3A : vector<16xi32>
      %convert_element_type3A_43 = arith.sitofp %add3A_42 : vector<16xi32> to vector<16xf32>
      %mul3A_44 = arith.constant 1.00261092 : f32
      %mul3A_45 = vector.broadcast %mul3A_44 : f32 to vector<16xf32>
      %mul3A_46 = arith.mulf %convert_element_type3A_43, %mul3A_45 : vector<16xf32>
      %sub3A = arith.constant 5.000000e-01 : f32
      %sub3A_47 = vector.broadcast %sub3A : f32 to vector<16xf32>
      %sub3A_48 = arith.subf %mul3A_46, %sub3A_47 : vector<16xf32>
      %mul3A_49 = arith.constant 16 : i32
      %mul3A_50 = arith.muli %scan3A_39, %mul3A_49 : i32
      %swap3A = arith.index_cast %mul3A_50 : i32 to index
      %swap3A_51 = tpu.vector_load %arg16[%swap3A] {strides = array<i32>} : memref<384xf32, #tpu.memory_space<vmem>>, vector<16xf32>,
      %swap3A_52 = vector.shape_cast %swap3A_51 : vector<16xf32> to vector<16xf32>
      %swap3A_53 = vector.shape_cast %sub3A_48 : vector<16xf32> to vector<16xf32>
      tpu.vector_store %arg16[%swap3A], %swap3A_53 {strides = array<i32>} : memref<384xf32, #tpu.memory_space<vmem>>, vector<16xf32>,
    }
    %scan3A_13 = arith.constant 24 : i32
    %scan3A_14 = arith.constant 0 : i32
    %scan3A_15 = arith.constant 0 : i32
    %scan3A_16 = arith.constant 24 : i32
    %scan3A_17 = arith.addi %scan3A_15, %scan3A_16 : i32
    %scan3A_18 = arith.constant 1 : i32
    scf.for %scan3A_39 = %scan3A_15 to %scan3A_17 step %scan3A_18  : i32 {
      %add3A = arith.addi %mul3A_0, %scan3A_39 : i32
      %broadcast_in_dim3A_40 = vector.broadcast %add3A : i32 to vector<16xi32>
      %convert_element_type3A_41 = arith.sitofp %broadcast_in_dim3A_40 : vector<16xi32> to vector<16xf32>
      %mul3A_42 = arith.constant 1.00261092 : f32
      %mul3A_43 = vector.broadcast %mul3A_42 : f32 to vector<16xf32>
      %mul3A_44 = arith.mulf %convert_element_type3A_41, %mul3A_43 : vector<16xf32>
      %sub3A = arith.constant 5.000000e-01 : f32
      %sub3A_45 = vector.broadcast %sub3A : f32 to vector<16xf32>
      %sub3A_46 = arith.subf %mul3A_44, %sub3A_45 : vector<16xf32>
      %mul3A_47 = arith.constant 16 : i32
      %mul3A_48 = arith.muli %scan3A_39, %mul3A_47 : i32
      %swap3A = arith.index_cast %mul3A_48 : i32 to index
      %swap3A_49 = tpu.vector_load %arg17[%swap3A] {strides = array<i32>} : memref<384xf32, #tpu.memory_space<vmem>>, vector<16xf32>,
      %swap3A_50 = vector.shape_cast %swap3A_49 : vector<16xf32> to vector<16xf32>
      %swap3A_51 = vector.shape_cast %sub3A_46 : vector<16xf32> to vector<16xf32>
      tpu.vector_store %arg17[%swap3A], %swap3A_51 {strides = array<i32>} : memref<384xf32, #tpu.memory_space<vmem>>, vector<16xf32>,
    }
    %scan3A_19 = arith.constant 24 : i32
    %broadcast_in_dim3A = arith.constant 0.000000e+00 : f32
    %broadcast_in_dim3A_20 = vector.broadcast %broadcast_in_dim3A : f32 to vector<16xf32>
    %scan3A_21 = arith.constant 0 : i32
    %scan3A_22 = arith.constant 0 : i32
    %scan3A_23 = arith.constant 1728 : i32
    %scan3A_24 = arith.addi %scan3A_22, %scan3A_23 : i32
    %scan3A_25 = arith.constant 1 : i32
    scf.for %scan3A_39 = %scan3A_22 to %scan3A_24 step %scan3A_25  : i32 {
      %mul3A_40 = arith.constant 16 : i32
      %mul3A_41 = arith.muli %scan3A_39, %mul3A_40 : i32
      %swap3A = arith.index_cast %mul3A_41 : i32 to index
      %swap3A_42 = tpu.vector_load %arg11[%swap3A] {strides = array<i32>} : memref<27648xf32, #tpu.memory_space<vmem>>, vector<16xf32>,
      %swap3A_43 = vector.shape_cast %swap3A_42 : vector<16xf32> to vector<16xf32>
      %swap3A_44 = vector.shape_cast %broadcast_in_dim3A_20 : vector<16xf32> to vector<16xf32>
      tpu.vector_store %arg11[%swap3A], %swap3A_44 {strides = array<i32>} : memref<27648xf32, #tpu.memory_space<vmem>>, vector<16xf32>,
    }
    %scan3A_26 = arith.constant 1728 : i32
    %scan3A_27 = arith.constant 0 : i32
    %scan3A_28 = arith.constant 0 : i32
    %scan3A_29 = arith.constant 49 : i32
    %scan3A_30 = arith.addi %scan3A_28, %scan3A_29 : i32
    %scan3A_31 = arith.constant 1 : i32
    scf.for %scan3A_39 = %scan3A_28 to %scan3A_30 step %scan3A_31  : i32 {
      %mul3A_40 = arith.constant 14450688 : i32
      %mul3A_41 = arith.muli %arg0, %mul3A_40 : i32
      %mul3A_42 = arith.constant 2 : i32
      %mul3A_43 = arith.muli %mul3A_42, %scan3A_39 : i32
      %mul3A_44 = arith.constant 147456 : i32
      %mul3A_45 = arith.muli %mul3A_43, %mul3A_44 : i32
      %add3A = arith.addi %mul3A_41, %mul3A_45 : i32
      %add3A_46 = arith.addi %add3A, %mul3A_2 : i32
      %mul3A_47 = arith.constant 2 : i32
      %mul3A_48 = arith.muli %mul3A_47, %scan3A_39 : i32
      %add3A_49 = arith.constant 1 : i32
      %add3A_50 = arith.addi %mul3A_48, %add3A_49 : i32
      %mul3A_51 = arith.constant 147456 : i32
      %mul3A_52 = arith.muli %add3A_50, %mul3A_51 : i32
      %add3A_53 = arith.addi %mul3A_41, %mul3A_52 : i32
      %add3A_54 = arith.addi %add3A_53, %mul3A_2 : i32
      %mul3A_55 = arith.constant 49 : i32
      %mul3A_56 = arith.muli %arg0, %mul3A_55 : i32
      %mul3A_57 = arith.constant 147456 : i32
      %mul3A_58 = arith.muli %mul3A_56, %mul3A_57 : i32
      %mul3A_59 = arith.constant 147456 : i32
      %mul3A_60 = arith.muli %scan3A_39, %mul3A_59 : i32
      %add3A_61 = arith.addi %mul3A_58, %mul3A_60 : i32
      %add3A_62 = arith.addi %add3A_61, %mul3A_2 : i32
      %dma_start3A = arith.constant 0 : i32
      %dma_start3A_63 = tpu.memref_slice %arg8[%dma_start3A] : memref<9216xf32, #tpu.memory_space<vmem>> -> memref<9216xf32, #tpu.memory_space<vmem>>
      %dma_start3A_64 = tpu.memref_slice %arg4[%add3A_46] : memref<28901376xf32, #tpu.memory_space<hbm>> -> memref<9216xf32, #tpu.memory_space<hbm>>
      %dma_start3A_65 = arith.constant 0 : i32
      %dma_start3A_66 = tpu.memref_slice %arg8[%dma_start3A_65] : memref<9216xf32, #tpu.memory_space<vmem>> -> memref<9216xf32, #tpu.memory_space<vmem>>
      %dma_start3A_67 = tpu.memref_slice %arg4[%add3A_46] : memref<28901376xf32, #tpu.memory_space<hbm>> -> memref<9216xf32, #tpu.memory_space<hbm>>
      tpu.enqueue_dma source(%dma_start3A_67 : memref<9216xf32, #tpu.memory_space<hbm>>) target(%dma_start3A_66 : memref<9216xf32, #tpu.memory_space<vmem>>) target_semaphore(%arg18 : memref<!tpu.dma_semaphore, #tpu.memory_space<semaphore_mem>>)
      %dma_start3A_68 = arith.constant 0 : i32
      %dma_start3A_69 = tpu.memref_slice %arg9[%dma_start3A_68] : memref<9216xf32, #tpu.memory_space<vmem>> -> memref<9216xf32, #tpu.memory_space<vmem>>
      %dma_start3A_70 = tpu.memref_slice %arg4[%add3A_54] : memref<28901376xf32, #tpu.memory_space<hbm>> -> memref<9216xf32, #tpu.memory_space<hbm>>
      %dma_start3A_71 = arith.constant 0 : i32
      %dma_start3A_72 = tpu.memref_slice %arg9[%dma_start3A_71] : memref<9216xf32, #tpu.memory_space<vmem>> -> memref<9216xf32, #tpu.memory_space<vmem>>
      %dma_start3A_73 = tpu.memref_slice %arg4[%add3A_54] : memref<28901376xf32, #tpu.memory_space<hbm>> -> memref<9216xf32, #tpu.memory_space<hbm>>
      tpu.enqueue_dma source(%dma_start3A_73 : memref<9216xf32, #tpu.memory_space<hbm>>) target(%dma_start3A_72 : memref<9216xf32, #tpu.memory_space<vmem>>) target_semaphore(%arg18 : memref<!tpu.dma_semaphore, #tpu.memory_space<semaphore_mem>>)
      %dma_start3A_74 = arith.constant 0 : i32
      %dma_start3A_75 = tpu.memref_slice %arg10[%dma_start3A_74] : memref<9216xf32, #tpu.memory_space<vmem>> -> memref<9216xf32, #tpu.memory_space<vmem>>
      %dma_start3A_76 = tpu.memref_slice %arg5[%add3A_62] : memref<14450688xf32, #tpu.memory_space<hbm>> -> memref<9216xf32, #tpu.memory_space<hbm>>
      %dma_start3A_77 = arith.constant 0 : i32
      %dma_start3A_78 = tpu.memref_slice %arg10[%dma_start3A_77] : memref<9216xf32, #tpu.memory_space<vmem>> -> memref<9216xf32, #tpu.memory_space<vmem>>
      %dma_start3A_79 = tpu.memref_slice %arg5[%add3A_62] : memref<14450688xf32, #tpu.memory_space<hbm>> -> memref<9216xf32, #tpu.memory_space<hbm>>
      tpu.enqueue_dma source(%dma_start3A_79 : memref<9216xf32, #tpu.memory_space<hbm>>) target(%dma_start3A_78 : memref<9216xf32, #tpu.memory_space<vmem>>) target_semaphore(%arg18 : memref<!tpu.dma_semaphore, #tpu.memory_space<semaphore_mem>>)
      %dma_wait3A = arith.constant 0 : i32
      %dma_wait3A_80 = tpu.memref_slice %arg8[%dma_wait3A] : memref<9216xf32, #tpu.memory_space<vmem>> -> memref<9216xf32, #tpu.memory_space<vmem>>
      %dma_wait3A_81 = tpu.memref_slice %arg4[%add3A_46] : memref<28901376xf32, #tpu.memory_space<hbm>> -> memref<9216xf32, #tpu.memory_space<hbm>>
      %dma_wait3A_82 = arith.constant 0 : i32
      %dma_wait3A_83 = tpu.memref_slice %arg8[%dma_wait3A_82] : memref<9216xf32, #tpu.memory_space<vmem>> -> memref<9216xf32, #tpu.memory_space<vmem>>
      %dma_wait3A_84 = tpu.memref_slice %arg4[%add3A_46] : memref<28901376xf32, #tpu.memory_space<hbm>> -> memref<9216xf32, #tpu.memory_space<hbm>>
      tpu.wait_dma2 semaphore(%arg18 : memref<!tpu.dma_semaphore, #tpu.memory_space<semaphore_mem>>) src(%dma_wait3A_84 : memref<9216xf32, #tpu.memory_space<hbm>>) dst(%dma_wait3A_83 : memref<9216xf32, #tpu.memory_space<vmem>>)
      %dma_wait3A_85 = arith.constant 0 : i32
      %dma_wait3A_86 = tpu.memref_slice %arg9[%dma_wait3A_85] : memref<9216xf32, #tpu.memory_space<vmem>> -> memref<9216xf32, #tpu.memory_space<vmem>>
      %dma_wait3A_87 = tpu.memref_slice %arg4[%add3A_54] : memref<28901376xf32, #tpu.memory_space<hbm>> -> memref<9216xf32, #tpu.memory_space<hbm>>
      %dma_wait3A_88 = arith.constant 0 : i32
      %dma_wait3A_89 = tpu.memref_slice %arg9[%dma_wait3A_88] : memref<9216xf32, #tpu.memory_space<vmem>> -> memref<9216xf32, #tpu.memory_space<vmem>>
      %dma_wait3A_90 = tpu.memref_slice %arg4[%add3A_54] : memref<28901376xf32, #tpu.memory_space<hbm>> -> memref<9216xf32, #tpu.memory_space<hbm>>
      tpu.wait_dma2 semaphore(%arg18 : memref<!tpu.dma_semaphore, #tpu.memory_space<semaphore_mem>>) src(%dma_wait3A_90 : memref<9216xf32, #tpu.memory_space<hbm>>) dst(%dma_wait3A_89 : memref<9216xf32, #tpu.memory_space<vmem>>)
      %dma_wait3A_91 = arith.constant 0 : i32
      %dma_wait3A_92 = tpu.memref_slice %arg10[%dma_wait3A_91] : memref<9216xf32, #tpu.memory_space<vmem>> -> memref<9216xf32, #tpu.memory_space<vmem>>
      %dma_wait3A_93 = tpu.memref_slice %arg5[%add3A_62] : memref<14450688xf32, #tpu.memory_space<hbm>> -> memref<9216xf32, #tpu.memory_space<hbm>>
      %dma_wait3A_94 = arith.constant 0 : i32
      %dma_wait3A_95 = tpu.memref_slice %arg10[%dma_wait3A_94] : memref<9216xf32, #tpu.memory_space<vmem>> -> memref<9216xf32, #tpu.memory_space<vmem>>
      %dma_wait3A_96 = tpu.memref_slice %arg5[%add3A_62] : memref<14450688xf32, #tpu.memory_space<hbm>> -> memref<9216xf32, #tpu.memory_space<hbm>>
      tpu.wait_dma2 semaphore(%arg18 : memref<!tpu.dma_semaphore, #tpu.memory_space<semaphore_mem>>) src(%dma_wait3A_96 : memref<9216xf32, #tpu.memory_space<hbm>>) dst(%dma_wait3A_95 : memref<9216xf32, #tpu.memory_space<vmem>>)
      %scan3A_97 = arith.constant 0 : i32
      %scan3A_98 = arith.constant 0 : i32
      %scan3A_99 = arith.constant 13 : i32
      %scan3A_100 = arith.addi %scan3A_98, %scan3A_99 : i32
      %scan3A_101 = arith.constant 1 : i32
      scf.for %scan3A_103 = %scan3A_98 to %scan3A_100 step %scan3A_101  : i32 {
        %lt3A = arith.constant 12 : i32
        %lt3A_104 = arith.cmpi slt, %scan3A_103, %lt3A : i32
        %convert_element_type3A_105 = arith.extui %lt3A_104 : i1 to i32
        %cond3A_106 = arith.constant 0 : i32
        %cond3A_107 = arith.cmpi ne, %convert_element_type3A_105, %cond3A_106 : i32
        scf.if %cond3A_107 {
          %jit3A = arith.constant 2 : i32
          %eq3A_112 = arith.constant 0 : i32
          %eq3A_113 = arith.cmpi eq, %jit3A, %eq3A_112 : i32
          %jit3A_114 = arith.constant 1 : i32
          %select_n3A = arith.select %eq3A_113, %jit3A_114, %jit3A : i32
          %rem3A = arith.remsi %scan3A_103, %select_n3A : i32
          %ne3A_115 = arith.constant 0 : i32
          %ne3A_116 = arith.cmpi ne, %rem3A, %ne3A_115 : i32
          %lt3A_117 = arith.constant 0 : i32
          %lt3A_118 = arith.cmpi slt, %rem3A, %lt3A_117 : i32
          %lt3A_119 = arith.constant 0 : i32
          %lt3A_120 = arith.cmpi slt, %select_n3A, %lt3A_119 : i32
          %ne3A_121 = arith.xori %lt3A_118, %lt3A_120 : i1
          %and3A = arith.andi %ne3A_121, %ne3A_116 : i1
          %add3A_122 = arith.addi %rem3A, %select_n3A : i32
          %select_n3A_123 = arith.select %and3A, %add3A_122, %rem3A : i32
          %mul3A_124 = arith.constant 4 : i32
          %mul3A_125 = arith.muli %select_n3A_123, %mul3A_124 : i32
          %scan3A_126 = arith.constant 0 : i32
          %scan3A_127 = arith.constant 0 : i32
          %scan3A_128 = arith.constant 4 : i32
          %scan3A_129 = arith.addi %scan3A_127, %scan3A_128 : i32
          %scan3A_130 = arith.constant 1 : i32
          scf.for %scan3A_132 = %scan3A_127 to %scan3A_129 step %scan3A_130  : i32 {
            %mul3A_133 = arith.constant 4 : i32
            %mul3A_134 = arith.muli %mul3A_133, %scan3A_103 : i32
            %add3A_135 = arith.addi %mul3A_134, %scan3A_132 : i32
            %add3A_136 = arith.addi %mul3A_125, %scan3A_132 : i32
            %jit3A_137 = arith.constant 2 : i32
            %div3A = arith.divsi %add3A_135, %jit3A_137 : i32
            %sign3A = arith.constant 0 : i32
            %sign3A_138 = arith.cmpi sgt, %add3A_135, %sign3A : i32
            %sign3A_139 = arith.extui %sign3A_138 : i1 to i32
            %sign3A_140 = arith.constant 0 : i32
            %sign3A_141 = arith.cmpi slt, %add3A_135, %sign3A_140 : i32
            %sign3A_142 = arith.extui %sign3A_141 : i1 to i32
            %sign3A_143 = arith.subi %sign3A_139, %sign3A_142 : i32
            %sign3A_144 = arith.constant 0 : i32
            %sign3A_145 = arith.cmpi sgt, %jit3A_137, %sign3A_144 : i32
            %sign3A_146 = arith.extui %sign3A_145 : i1 to i32
            %sign3A_147 = arith.constant 0 : i32
            %sign3A_148 = arith.cmpi slt, %jit3A_137, %sign3A_147 : i32
            %sign3A_149 = arith.extui %sign3A_148 : i1 to i32
            %sign3A_150 = arith.subi %sign3A_146, %sign3A_149 : i32
            %ne3A_151 = arith.cmpi ne, %sign3A_143, %sign3A_150 : i32
            %rem3A_152 = arith.remsi %add3A_135, %jit3A_137 : i32
            %ne3A_153 = arith.constant 0 : i32
            %ne3A_154 = arith.cmpi ne, %rem3A_152, %ne3A_153 : i32
            %and3A_155 = arith.andi %ne3A_151, %ne3A_154 : i1
            %sub3A = arith.constant 1 : i32
            %sub3A_156 = arith.subi %div3A, %sub3A : i32
            %select_n3A_157 = arith.select %and3A_155, %sub3A_156, %div3A : i32
            %mul3A_158 = arith.constant 2 : i32
            %mul3A_159 = arith.muli %select_n3A_157, %mul3A_158 : i32
            %sub3A_160 = arith.subi %add3A_135, %mul3A_159 : i32
            %mul3A_161 = arith.constant 192 : i32
            %mul3A_162 = arith.muli %sub3A_160, %mul3A_161 : i32
            %mul3A_163 = arith.constant 192 : i32
            %mul3A_164 = arith.muli %add3A_135, %mul3A_163 : i32
            %mul3A_165 = arith.constant 192 : i32
            %mul3A_166 = arith.muli %add3A_136, %mul3A_165 : i32
            %mul3A_167 = arith.constant 1152 : i32
            %mul3A_168 = arith.muli %add3A_136, %mul3A_167 : i32
            %scan3A_169 = arith.constant 0 : i32
            %scan3A_170 = arith.constant 0 : i32
            %scan3A_171 = arith.constant 6 : i32
            %scan3A_172 = arith.addi %scan3A_170, %scan3A_171 : i32
            %scan3A_173 = arith.constant 1 : i32
            scf.for %scan3A_238 = %scan3A_170 to %scan3A_172 step %scan3A_173  : i32 {
              %mul3A_239 = arith.constant 16 : i32
              %mul3A_240 = arith.muli %select_n3A_157, %mul3A_239 : i32
              %get3A = arith.index_cast %mul3A_240 : i32 to index
              %get3A_241 = tpu.vector_load %arg17[%get3A] {strides = array<i32>} : memref<384xf32, #tpu.memory_space<vmem>>, vector<16xf32>,
              %get3A_242 = vector.shape_cast %get3A_241 : vector<16xf32> to vector<16xf32>
              %mul3A_243 = arith.constant 32 : i32
              %mul3A_244 = arith.muli %scan3A_238, %mul3A_243 : i32
              %add3A_245 = arith.constant 0 : i32
              %add3A_246 = arith.addi %mul3A_244, %add3A_245 : i32
              %add3A_247 = arith.addi %mul3A_164, %add3A_246 : i32
              %get3A_248 = arith.index_cast %add3A_247 : i32 to index
              %get3A_249 = tpu.vector_load %arg8[%get3A_248] {strides = array<i32>} : memref<9216xf32, #tpu.memory_space<vmem>>, vector<16xf32>,
              %get3A_250 = vector.shape_cast %get3A_249 : vector<16xf32> to vector<16xf32>
              %add3A_251 = arith.addi %mul3A_164, %add3A_246 : i32
              %get3A_252 = arith.index_cast %add3A_251 : i32 to index
              %get3A_253 = tpu.vector_load %arg9[%get3A_252] {strides = array<i32>} : memref<9216xf32, #tpu.memory_space<vmem>>, vector<16xf32>,
              %get3A_254 = vector.shape_cast %get3A_253 : vector<16xf32> to vector<16xf32>
              %add3A_255 = arith.addi %mul3A_162, %add3A_246 : i32
              %get3A_256 = arith.index_cast %add3A_255 : i32 to index
              %get3A_257 = tpu.vector_load %arg16[%get3A_256] {strides = array<i32>} : memref<384xf32, #tpu.memory_space<vmem>>, vector<16xf32>,
              %get3A_258 = vector.shape_cast %get3A_257 : vector<16xf32> to vector<16xf32>
              %mul3A_259 = arith.constant 1.00261092 : f32
              %mul3A_260 = vector.broadcast %mul3A_259 : f32 to vector<16xf32>
              %mul3A_261 = arith.mulf %get3A_250, %mul3A_260 : vector<16xf32>
              %add3A_262 = arith.addf %get3A_258, %mul3A_261 : vector<16xf32>
              %max3A = arith.constant 0.000000e+00 : f32
              %max3A_263 = vector.broadcast %max3A : f32 to vector<16xf32>
              %max3A_264 = arith.maximumf %add3A_262, %max3A_263 : vector<16xf32>
              %min3A = arith.constant 3.830000e+02 : f32
              %min3A_265 = vector.broadcast %min3A : f32 to vector<16xf32>
              %min3A_266 = arith.minimumf %max3A_264, %min3A_265 : vector<16xf32>
              %mul3A_267 = arith.constant 1.00261092 : f32
              %mul3A_268 = vector.broadcast %mul3A_267 : f32 to vector<16xf32>
              %mul3A_269 = arith.mulf %get3A_254, %mul3A_268 : vector<16xf32>
              %add3A_270 = arith.addf %get3A_242, %mul3A_269 : vector<16xf32>
              %max3A_271 = arith.constant 0.000000e+00 : f32
              %max3A_272 = vector.broadcast %max3A_271 : f32 to vector<16xf32>
              %max3A_273 = arith.maximumf %add3A_270, %max3A_272 : vector<16xf32>
              %min3A_274 = arith.constant 3.830000e+02 : f32
              %min3A_275 = vector.broadcast %min3A_274 : f32 to vector<16xf32>
              %min3A_276 = arith.minimumf %max3A_273, %min3A_275 : vector<16xf32>
              %convert_element_type3A_277 = arith.fptosi %min3A_266 : vector<16xf32> to vector<16xi32>
              %convert_element_type3A_278 = arith.fptosi %min3A_276 : vector<16xf32> to vector<16xi32>
              %convert_element_type3A_279 = arith.sitofp %convert_element_type3A_277 : vector<16xi32> to vector<16xf32>
              %sub3A_280 = arith.subf %min3A_266, %convert_element_type3A_279 : vector<16xf32>
              %add3A_281 = arith.addi %mul3A_166, %add3A_246 : i32
              %swap3A = arith.index_cast %add3A_281 : i32 to index
              %swap3A_282 = tpu.vector_load %arg14[%swap3A] {strides = array<i32>} : memref<1536xf32, #tpu.memory_space<vmem>>, vector<16xf32>,
              %swap3A_283 = vector.shape_cast %swap3A_282 : vector<16xf32> to vector<16xf32>
              %swap3A_284 = vector.shape_cast %sub3A_280 : vector<16xf32> to vector<16xf32>
              tpu.vector_store %arg14[%swap3A], %swap3A_284 {strides = array<i32>} : memref<1536xf32, #tpu.memory_space<vmem>>, vector<16xf32>,
              %convert_element_type3A_285 = arith.sitofp %convert_element_type3A_278 : vector<16xi32> to vector<16xf32>
              %sub3A_286 = arith.subf %min3A_276, %convert_element_type3A_285 : vector<16xf32>
              %add3A_287 = arith.addi %mul3A_166, %add3A_246 : i32
              %swap3A_288 = arith.index_cast %add3A_287 : i32 to index
              %swap3A_289 = tpu.vector_load %arg15[%swap3A_288] {strides = array<i32>} : memref<1536xf32, #tpu.memory_space<vmem>>, vector<16xf32>,
              %swap3A_290 = vector.shape_cast %swap3A_289 : vector<16xf32> to vector<16xf32>
              %swap3A_291 = vector.shape_cast %sub3A_286 : vector<16xf32> to vector<16xf32>
              tpu.vector_store %arg15[%swap3A_288], %swap3A_291 {strides = array<i32>} : memref<1536xf32, #tpu.memory_space<vmem>>, vector<16xf32>,
              %mul3A_292 = arith.constant 384 : i32
              %mul3A_293 = vector.broadcast %mul3A_292 : i32 to vector<16xi32>
              %mul3A_294 = arith.muli %convert_element_type3A_278, %mul3A_293 : vector<16xi32>
              %add3A_295 = arith.addi %mul3A_294, %convert_element_type3A_277 : vector<16xi32>
              %add3A_296 = arith.addi %mul3A_166, %add3A_246 : i32
              %swap3A_297 = arith.index_cast %add3A_296 : i32 to index
              %swap3A_298 = tpu.vector_load %arg13[%swap3A_297] {strides = array<i32>} : memref<1536xi32, #tpu.memory_space<vmem>>, vector<16xi32>,
              %swap3A_299 = vector.shape_cast %swap3A_298 : vector<16xi32> to vector<16xi32>
              %swap3A_300 = vector.shape_cast %add3A_295 : vector<16xi32> to vector<16xi32>
              tpu.vector_store %arg13[%swap3A_297], %swap3A_300 {strides = array<i32>} : memref<1536xi32, #tpu.memory_space<vmem>>, vector<16xi32>,
              %mul3A_301 = arith.constant 32 : i32
              %mul3A_302 = arith.muli %scan3A_238, %mul3A_301 : i32
              %add3A_303 = arith.constant 16 : i32
              %add3A_304 = arith.addi %mul3A_302, %add3A_303 : i32
              %add3A_305 = arith.addi %mul3A_164, %add3A_304 : i32
              %get3A_306 = arith.index_cast %add3A_305 : i32 to index
              %get3A_307 = tpu.vector_load %arg8[%get3A_306] {strides = array<i32>} : memref<9216xf32, #tpu.memory_space<vmem>>, vector<16xf32>,
              %get3A_308 = vector.shape_cast %get3A_307 : vector<16xf32> to vector<16xf32>
              %add3A_309 = arith.addi %mul3A_164, %add3A_304 : i32
              %get3A_310 = arith.index_cast %add3A_309 : i32 to index
              %get3A_311 = tpu.vector_load %arg9[%get3A_310] {strides = array<i32>} : memref<9216xf32, #tpu.memory_space<vmem>>, vector<16xf32>,
              %get3A_312 = vector.shape_cast %get3A_311 : vector<16xf32> to vector<16xf32>
              %add3A_313 = arith.addi %mul3A_162, %add3A_304 : i32
              %get3A_314 = arith.index_cast %add3A_313 : i32 to index
              %get3A_315 = tpu.vector_load %arg16[%get3A_314] {strides = array<i32>} : memref<384xf32, #tpu.memory_space<vmem>>, vector<16xf32>,
              %get3A_316 = vector.shape_cast %get3A_315 : vector<16xf32> to vector<16xf32>
              %mul3A_317 = arith.constant 1.00261092 : f32
              %mul3A_318 = vector.broadcast %mul3A_317 : f32 to vector<16xf32>
              %mul3A_319 = arith.mulf %get3A_308, %mul3A_318 : vector<16xf32>
              %add3A_320 = arith.addf %get3A_316, %mul3A_319 : vector<16xf32>
              %max3A_321 = arith.constant 0.000000e+00 : f32
              %max3A_322 = vector.broadcast %max3A_321 : f32 to vector<16xf32>
              %max3A_323 = arith.maximumf %add3A_320, %max3A_322 : vector<16xf32>
              %min3A_324 = arith.constant 3.830000e+02 : f32
              %min3A_325 = vector.broadcast %min3A_324 : f32 to vector<16xf32>
              %min3A_326 = arith.minimumf %max3A_323, %min3A_325 : vector<16xf32>
              %mul3A_327 = arith.constant 1.00261092 : f32
              %mul3A_328 = vector.broadcast %mul3A_327 : f32 to vector<16xf32>
              %mul3A_329 = arith.mulf %get3A_312, %mul3A_328 : vector<16xf32>
              %add3A_330 = arith.addf %get3A_242, %mul3A_329 : vector<16xf32>
              %max3A_331 = arith.constant 0.000000e+00 : f32
              %max3A_332 = vector.broadcast %max3A_331 : f32 to vector<16xf32>
              %max3A_333 = arith.maximumf %add3A_330, %max3A_332 : vector<16xf32>
              %min3A_334 = arith.constant 3.830000e+02 : f32
              %min3A_335 = vector.broadcast %min3A_334 : f32 to vector<16xf32>
              %min3A_336 = arith.minimumf %max3A_333, %min3A_335 : vector<16xf32>
              %convert_element_type3A_337 = arith.fptosi %min3A_326 : vector<16xf32> to vector<16xi32>
              %convert_element_type3A_338 = arith.fptosi %min3A_336 : vector<16xf32> to vector<16xi32>
              %convert_element_type3A_339 = arith.sitofp %convert_element_type3A_337 : vector<16xi32> to vector<16xf32>
              %sub3A_340 = arith.subf %min3A_326, %convert_element_type3A_339 : vector<16xf32>
              %add3A_341 = arith.addi %mul3A_166, %add3A_304 : i32
              %swap3A_342 = arith.index_cast %add3A_341 : i32 to index
              %swap3A_343 = tpu.vector_load %arg14[%swap3A_342] {strides = array<i32>} : memref<1536xf32, #tpu.memory_space<vmem>>, vector<16xf32>,
              %swap3A_344 = vector.shape_cast %swap3A_343 : vector<16xf32> to vector<16xf32>
              %swap3A_345 = vector.shape_cast %sub3A_340 : vector<16xf32> to vector<16xf32>
              tpu.vector_store %arg14[%swap3A_342], %swap3A_345 {strides = array<i32>} : memref<1536xf32, #tpu.memory_space<vmem>>, vector<16xf32>,
              %convert_element_type3A_346 = arith.sitofp %convert_element_type3A_338 : vector<16xi32> to vector<16xf32>
              %sub3A_347 = arith.subf %min3A_336, %convert_element_type3A_346 : vector<16xf32>
              %add3A_348 = arith.addi %mul3A_166, %add3A_304 : i32
              %swap3A_349 = arith.index_cast %add3A_348 : i32 to index
              %swap3A_350 = tpu.vector_load %arg15[%swap3A_349] {strides = array<i32>} : memref<1536xf32, #tpu.memory_space<vmem>>, vector<16xf32>,
              %swap3A_351 = vector.shape_cast %swap3A_350 : vector<16xf32> to vector<16xf32>
              %swap3A_352 = vector.shape_cast %sub3A_347 : vector<16xf32> to vector<16xf32>
              tpu.vector_store %arg15[%swap3A_349], %swap3A_352 {strides = array<i32>} : memref<1536xf32, #tpu.memory_space<vmem>>, vector<16xf32>,
              %mul3A_353 = arith.constant 384 : i32
              %mul3A_354 = vector.broadcast %mul3A_353 : i32 to vector<16xi32>
              %mul3A_355 = arith.muli %convert_element_type3A_338, %mul3A_354 : vector<16xi32>
              %add3A_356 = arith.addi %mul3A_355, %convert_element_type3A_337 : vector<16xi32>
              %add3A_357 = arith.addi %mul3A_166, %add3A_304 : i32
              %swap3A_358 = arith.index_cast %add3A_357 : i32 to index
              %swap3A_359 = tpu.vector_load %arg13[%swap3A_358] {strides = array<i32>} : memref<1536xi32, #tpu.memory_space<vmem>>, vector<16xi32>,
              %swap3A_360 = vector.shape_cast %swap3A_359 : vector<16xi32> to vector<16xi32>
              %swap3A_361 = vector.shape_cast %add3A_356 : vector<16xi32> to vector<16xi32>
              tpu.vector_store %arg13[%swap3A_358], %swap3A_361 {strides = array<i32>} : memref<1536xi32, #tpu.memory_space<vmem>>, vector<16xi32>,
            }
            %scan3A_174 = arith.constant 6 : i32
            %add3A_175 = arith.addi %mul3A_125, %scan3A_132 : i32
            %mul3A_176 = arith.constant 192 : i32
            %mul3A_177 = arith.muli %add3A_175, %mul3A_176 : i32
            %mul3A_178 = arith.constant 1152 : i32
            %mul3A_179 = arith.muli %add3A_175, %mul3A_178 : i32
            %add3A_180 = arith.constant 0 : i32
            %add3A_181 = arith.addi %mul3A_179, %add3A_180 : i32
            %mul3A_182 = arith.constant 1152 : i32
            %mul3A_183 = arith.muli %add3A_175, %mul3A_182 : i32
            %add3A_184 = arith.constant 192 : i32
            %add3A_185 = arith.addi %mul3A_183, %add3A_184 : i32
            %mul3A_186 = arith.constant 1152 : i32
            %mul3A_187 = arith.muli %add3A_175, %mul3A_186 : i32
            %add3A_188 = arith.constant 384 : i32
            %add3A_189 = arith.addi %mul3A_187, %add3A_188 : i32
            %mul3A_190 = arith.constant 1152 : i32
            %mul3A_191 = arith.muli %add3A_175, %mul3A_190 : i32
            %add3A_192 = arith.constant 576 : i32
            %add3A_193 = arith.addi %mul3A_191, %add3A_192 : i32
            %mul3A_194 = arith.constant 1152 : i32
            %mul3A_195 = arith.muli %add3A_175, %mul3A_194 : i32
            %add3A_196 = arith.constant 768 : i32
            %add3A_197 = arith.addi %mul3A_195, %add3A_196 : i32
            %mul3A_198 = arith.constant 1152 : i32
            %mul3A_199 = arith.muli %add3A_175, %mul3A_198 : i32
            %add3A_200 = arith.constant 960 : i32
            %add3A_201 = arith.addi %mul3A_199, %add3A_200 : i32
            %dma_start3A_202 = tpu.memref_slice %arg12[%add3A_181] : memref<9216xi32, #tpu.memory_space<vmem>> -> memref<192xi32, #tpu.memory_space<vmem>>
            %dma_start3A_203 = tpu.memref_slice %arg13[%mul3A_177] : memref<1536xi32, #tpu.memory_space<vmem>> -> memref<192xi32, #tpu.memory_space<vmem>>
            %dma_start3A_204 = arith.constant 0 : i32
            %dma_start3A_205 = tpu.memref_slice %arg7[%dma_start3A_204] : memref<884736xi32, #tpu.memory_space<vmem_shared>> -> memref<147456xi32, #tpu.memory_space<vmem_shared>>
            %dma_start3A_206 = arith.constant 0 : i32
            %dma_start3A_207 = tpu.memref_slice %dma_start3A_205[%dma_start3A_206] : memref<147456xi32, #tpu.memory_space<vmem_shared>> -> memref<147456xi32, #tpu.memory_space<vmem_shared>>
            tpu.enqueue_indirect_dma source(%dma_start3A_207 : memref<147456xi32, #tpu.memory_space<vmem_shared>>) target(%dma_start3A_202 : memref<192xi32, #tpu.memory_space<vmem>>) offsets(%dma_start3A_203 : memref<192xi32, #tpu.memory_space<vmem>>) semaphore(%arg18 : memref<!tpu.dma_semaphore, #tpu.memory_space<semaphore_mem>>)
            %dma_start3A_208 = tpu.memref_slice %arg12[%add3A_185] : memref<9216xi32, #tpu.memory_space<vmem>> -> memref<192xi32, #tpu.memory_space<vmem>>
            %dma_start3A_209 = tpu.memref_slice %arg13[%mul3A_177] : memref<1536xi32, #tpu.memory_space<vmem>> -> memref<192xi32, #tpu.memory_space<vmem>>
            %dma_start3A_210 = arith.constant 147456 : i32
            %dma_start3A_211 = tpu.memref_slice %arg7[%dma_start3A_210] : memref<884736xi32, #tpu.memory_space<vmem_shared>> -> memref<147456xi32, #tpu.memory_space<vmem_shared>>
            %dma_start3A_212 = arith.constant 0 : i32
            %dma_start3A_213 = tpu.memref_slice %dma_start3A_211[%dma_start3A_212] : memref<147456xi32, #tpu.memory_space<vmem_shared>> -> memref<147456xi32, #tpu.memory_space<vmem_shared>>
            tpu.enqueue_indirect_dma source(%dma_start3A_213 : memref<147456xi32, #tpu.memory_space<vmem_shared>>) target(%dma_start3A_208 : memref<192xi32, #tpu.memory_space<vmem>>) offsets(%dma_start3A_209 : memref<192xi32, #tpu.memory_space<vmem>>) semaphore(%arg18 : memref<!tpu.dma_semaphore, #tpu.memory_space<semaphore_mem>>)
            %dma_start3A_214 = tpu.memref_slice %arg12[%add3A_189] : memref<9216xi32, #tpu.memory_space<vmem>> -> memref<192xi32, #tpu.memory_space<vmem>>
            %dma_start3A_215 = tpu.memref_slice %arg13[%mul3A_177] : memref<1536xi32, #tpu.memory_space<vmem>> -> memref<192xi32, #tpu.memory_space<vmem>>
            %dma_start3A_216 = arith.constant 294912 : i32
            %dma_start3A_217 = tpu.memref_slice %arg7[%dma_start3A_216] : memref<884736xi32, #tpu.memory_space<vmem_shared>> -> memref<147456xi32, #tpu.memory_space<vmem_shared>>
            %dma_start3A_218 = arith.constant 0 : i32
            %dma_start3A_219 = tpu.memref_slice %dma_start3A_217[%dma_start3A_218] : memref<147456xi32, #tpu.memory_space<vmem_shared>> -> memref<147456xi32, #tpu.memory_space<vmem_shared>>
            tpu.enqueue_indirect_dma source(%dma_start3A_219 : memref<147456xi32, #tpu.memory_space<vmem_shared>>) target(%dma_start3A_214 : memref<192xi32, #tpu.memory_space<vmem>>) offsets(%dma_start3A_215 : memref<192xi32, #tpu.memory_space<vmem>>) semaphore(%arg18 : memref<!tpu.dma_semaphore, #tpu.memory_space<semaphore_mem>>)
            %dma_start3A_220 = tpu.memref_slice %arg12[%add3A_193] : memref<9216xi32, #tpu.memory_space<vmem>> -> memref<192xi32, #tpu.memory_space<vmem>>
            %dma_start3A_221 = tpu.memref_slice %arg13[%mul3A_177] : memref<1536xi32, #tpu.memory_space<vmem>> -> memref<192xi32, #tpu.memory_space<vmem>>
            %dma_start3A_222 = arith.constant 442368 : i32
            %dma_start3A_223 = tpu.memref_slice %arg7[%dma_start3A_222] : memref<884736xi32, #tpu.memory_space<vmem_shared>> -> memref<147456xi32, #tpu.memory_space<vmem_shared>>
            %dma_start3A_224 = arith.constant 0 : i32
            %dma_start3A_225 = tpu.memref_slice %dma_start3A_223[%dma_start3A_224] : memref<147456xi32, #tpu.memory_space<vmem_shared>> -> memref<147456xi32, #tpu.memory_space<vmem_shared>>
            tpu.enqueue_indirect_dma source(%dma_start3A_225 : memref<147456xi32, #tpu.memory_space<vmem_shared>>) target(%dma_start3A_220 : memref<192xi32, #tpu.memory_space<vmem>>) offsets(%dma_start3A_221 : memref<192xi32, #tpu.memory_space<vmem>>) semaphore(%arg18 : memref<!tpu.dma_semaphore, #tpu.memory_space<semaphore_mem>>)
            %dma_start3A_226 = tpu.memref_slice %arg12[%add3A_197] : memref<9216xi32, #tpu.memory_space<vmem>> -> memref<192xi32, #tpu.memory_space<vmem>>
            %dma_start3A_227 = tpu.memref_slice %arg13[%mul3A_177] : memref<1536xi32, #tpu.memory_space<vmem>> -> memref<192xi32, #tpu.memory_space<vmem>>
            %dma_start3A_228 = arith.constant 589824 : i32
            %dma_start3A_229 = tpu.memref_slice %arg7[%dma_start3A_228] : memref<884736xi32, #tpu.memory_space<vmem_shared>> -> memref<147456xi32, #tpu.memory_space<vmem_shared>>
            %dma_start3A_230 = arith.constant 0 : i32
            %dma_start3A_231 = tpu.memref_slice %dma_start3A_229[%dma_start3A_230] : memref<147456xi32, #tpu.memory_space<vmem_shared>> -> memref<147456xi32, #tpu.memory_space<vmem_shared>>
            tpu.enqueue_indirect_dma source(%dma_start3A_231 : memref<147456xi32, #tpu.memory_space<vmem_shared>>) target(%dma_start3A_226 : memref<192xi32, #tpu.memory_space<vmem>>) offsets(%dma_start3A_227 : memref<192xi32, #tpu.memory_space<vmem>>) semaphore(%arg18 : memref<!tpu.dma_semaphore, #tpu.memory_space<semaphore_mem>>)
            %dma_start3A_232 = tpu.memref_slice %arg12[%add3A_201] : memref<9216xi32, #tpu.memory_space<vmem>> -> memref<192xi32, #tpu.memory_space<vmem>>
            %dma_start3A_233 = tpu.memref_slice %arg13[%mul3A_177] : memref<1536xi32, #tpu.memory_space<vmem>> -> memref<192xi32, #tpu.memory_space<vmem>>
            %dma_start3A_234 = arith.constant 737280 : i32
            %dma_start3A_235 = tpu.memref_slice %arg7[%dma_start3A_234] : memref<884736xi32, #tpu.memory_space<vmem_shared>> -> memref<147456xi32, #tpu.memory_space<vmem_shared>>
            %dma_start3A_236 = arith.constant 0 : i32
            %dma_start3A_237 = tpu.memref_slice %dma_start3A_235[%dma_start3A_236] : memref<147456xi32, #tpu.memory_space<vmem_shared>> -> memref<147456xi32, #tpu.memory_space<vmem_shared>>
            tpu.enqueue_indirect_dma source(%dma_start3A_237 : memref<147456xi32, #tpu.memory_space<vmem_shared>>) target(%dma_start3A_232 : memref<192xi32, #tpu.memory_space<vmem>>) offsets(%dma_start3A_233 : memref<192xi32, #tpu.memory_space<vmem>>) semaphore(%arg18 : memref<!tpu.dma_semaphore, #tpu.memory_space<semaphore_mem>>)
          }
          %scan3A_131 = arith.constant 4 : i32
        } else {
        }
        %ge3A = arith.constant 1 : i32
        %ge3A_108 = arith.cmpi sge, %scan3A_103, %ge3A : i32
        %convert_element_type3A_109 = arith.extui %ge3A_108 : i1 to i32
        %cond3A_110 = arith.constant 0 : i32
        %cond3A_111 = arith.cmpi ne, %convert_element_type3A_109, %cond3A_110 : i32
        scf.if %cond3A_111 {
          %sub3A = arith.constant 1 : i32
          %sub3A_112 = arith.subi %scan3A_103, %sub3A : i32
          %jit3A = arith.constant 2 : i32
          %eq3A_113 = arith.constant 0 : i32
          %eq3A_114 = arith.cmpi eq, %jit3A, %eq3A_113 : i32
          %jit3A_115 = arith.constant 1 : i32
          %select_n3A = arith.select %eq3A_114, %jit3A_115, %jit3A : i32
          %rem3A = arith.remsi %sub3A_112, %select_n3A : i32
          %ne3A_116 = arith.constant 0 : i32
          %ne3A_117 = arith.cmpi ne, %rem3A, %ne3A_116 : i32
          %lt3A_118 = arith.constant 0 : i32
          %lt3A_119 = arith.cmpi slt, %rem3A, %lt3A_118 : i32
          %lt3A_120 = arith.constant 0 : i32
          %lt3A_121 = arith.cmpi slt, %select_n3A, %lt3A_120 : i32
          %ne3A_122 = arith.xori %lt3A_119, %lt3A_121 : i1
          %and3A = arith.andi %ne3A_122, %ne3A_117 : i1
          %add3A_123 = arith.addi %rem3A, %select_n3A : i32
          %select_n3A_124 = arith.select %and3A, %add3A_123, %rem3A : i32
          %mul3A_125 = arith.constant 4 : i32
          %mul3A_126 = arith.muli %select_n3A_124, %mul3A_125 : i32
          %scan3A_127 = arith.constant 0 : i32
          %scan3A_128 = arith.constant 0 : i32
          %scan3A_129 = arith.constant 4 : i32
          %scan3A_130 = arith.addi %scan3A_128, %scan3A_129 : i32
          %scan3A_131 = arith.constant 1 : i32
          scf.for %scan3A_133 = %scan3A_128 to %scan3A_130 step %scan3A_131  : i32 {
            %add3A_134 = arith.addi %mul3A_126, %scan3A_133 : i32
            %mul3A_135 = arith.constant 192 : i32
            %mul3A_136 = arith.muli %add3A_134, %mul3A_135 : i32
            %mul3A_137 = arith.constant 1152 : i32
            %mul3A_138 = arith.muli %add3A_134, %mul3A_137 : i32
            %add3A_139 = arith.constant 0 : i32
            %add3A_140 = arith.addi %mul3A_138, %add3A_139 : i32
            %mul3A_141 = arith.constant 1152 : i32
            %mul3A_142 = arith.muli %add3A_134, %mul3A_141 : i32
            %add3A_143 = arith.constant 192 : i32
            %add3A_144 = arith.addi %mul3A_142, %add3A_143 : i32
            %mul3A_145 = arith.constant 1152 : i32
            %mul3A_146 = arith.muli %add3A_134, %mul3A_145 : i32
            %add3A_147 = arith.constant 384 : i32
            %add3A_148 = arith.addi %mul3A_146, %add3A_147 : i32
            %mul3A_149 = arith.constant 1152 : i32
            %mul3A_150 = arith.muli %add3A_134, %mul3A_149 : i32
            %add3A_151 = arith.constant 576 : i32
            %add3A_152 = arith.addi %mul3A_150, %add3A_151 : i32
            %mul3A_153 = arith.constant 1152 : i32
            %mul3A_154 = arith.muli %add3A_134, %mul3A_153 : i32
            %add3A_155 = arith.constant 768 : i32
            %add3A_156 = arith.addi %mul3A_154, %add3A_155 : i32
            %mul3A_157 = arith.constant 1152 : i32
            %mul3A_158 = arith.muli %add3A_134, %mul3A_157 : i32
            %add3A_159 = arith.constant 960 : i32
            %add3A_160 = arith.addi %mul3A_158, %add3A_159 : i32
            %dma_wait3A_161 = tpu.memref_slice %arg12[%add3A_140] : memref<9216xi32, #tpu.memory_space<vmem>> -> memref<192xi32, #tpu.memory_space<vmem>>
            %dma_wait3A_162 = tpu.memref_slice %arg13[%mul3A_136] : memref<1536xi32, #tpu.memory_space<vmem>> -> memref<192xi32, #tpu.memory_space<vmem>>
            %dma_wait3A_163 = arith.constant 0 : i32
            %dma_wait3A_164 = tpu.memref_slice %arg7[%dma_wait3A_163] : memref<884736xi32, #tpu.memory_space<vmem_shared>> -> memref<147456xi32, #tpu.memory_space<vmem_shared>>
            %dma_wait3A_165 = arith.constant 0 : i32
            %dma_wait3A_166 = tpu.memref_slice %dma_wait3A_164[%dma_wait3A_165] : memref<147456xi32, #tpu.memory_space<vmem_shared>> -> memref<147456xi32, #tpu.memory_space<vmem_shared>>
            tpu.wait_indirect_dma semaphore(%arg18 : memref<!tpu.dma_semaphore, #tpu.memory_space<semaphore_mem>>) src(%dma_wait3A_166 : memref<147456xi32, #tpu.memory_space<vmem_shared>>) dst(%dma_wait3A_161 : memref<192xi32, #tpu.memory_space<vmem>>)
            %dma_wait3A_167 = tpu.memref_slice %arg12[%add3A_144] : memref<9216xi32, #tpu.memory_space<vmem>> -> memref<192xi32, #tpu.memory_space<vmem>>
            %dma_wait3A_168 = tpu.memref_slice %arg13[%mul3A_136] : memref<1536xi32, #tpu.memory_space<vmem>> -> memref<192xi32, #tpu.memory_space<vmem>>
            %dma_wait3A_169 = arith.constant 147456 : i32
            %dma_wait3A_170 = tpu.memref_slice %arg7[%dma_wait3A_169] : memref<884736xi32, #tpu.memory_space<vmem_shared>> -> memref<147456xi32, #tpu.memory_space<vmem_shared>>
            %dma_wait3A_171 = arith.constant 0 : i32
            %dma_wait3A_172 = tpu.memref_slice %dma_wait3A_170[%dma_wait3A_171] : memref<147456xi32, #tpu.memory_space<vmem_shared>> -> memref<147456xi32, #tpu.memory_space<vmem_shared>>
            tpu.wait_indirect_dma semaphore(%arg18 : memref<!tpu.dma_semaphore, #tpu.memory_space<semaphore_mem>>) src(%dma_wait3A_172 : memref<147456xi32, #tpu.memory_space<vmem_shared>>) dst(%dma_wait3A_167 : memref<192xi32, #tpu.memory_space<vmem>>)
            %dma_wait3A_173 = tpu.memref_slice %arg12[%add3A_148] : memref<9216xi32, #tpu.memory_space<vmem>> -> memref<192xi32, #tpu.memory_space<vmem>>
            %dma_wait3A_174 = tpu.memref_slice %arg13[%mul3A_136] : memref<1536xi32, #tpu.memory_space<vmem>> -> memref<192xi32, #tpu.memory_space<vmem>>
            %dma_wait3A_175 = arith.constant 294912 : i32
            %dma_wait3A_176 = tpu.memref_slice %arg7[%dma_wait3A_175] : memref<884736xi32, #tpu.memory_space<vmem_shared>> -> memref<147456xi32, #tpu.memory_space<vmem_shared>>
            %dma_wait3A_177 = arith.constant 0 : i32
            %dma_wait3A_178 = tpu.memref_slice %dma_wait3A_176[%dma_wait3A_177] : memref<147456xi32, #tpu.memory_space<vmem_shared>> -> memref<147456xi32, #tpu.memory_space<vmem_shared>>
            tpu.wait_indirect_dma semaphore(%arg18 : memref<!tpu.dma_semaphore, #tpu.memory_space<semaphore_mem>>) src(%dma_wait3A_178 : memref<147456xi32, #tpu.memory_space<vmem_shared>>) dst(%dma_wait3A_173 : memref<192xi32, #tpu.memory_space<vmem>>)
            %dma_wait3A_179 = tpu.memref_slice %arg12[%add3A_152] : memref<9216xi32, #tpu.memory_space<vmem>> -> memref<192xi32, #tpu.memory_space<vmem>>
            %dma_wait3A_180 = tpu.memref_slice %arg13[%mul3A_136] : memref<1536xi32, #tpu.memory_space<vmem>> -> memref<192xi32, #tpu.memory_space<vmem>>
            %dma_wait3A_181 = arith.constant 442368 : i32
            %dma_wait3A_182 = tpu.memref_slice %arg7[%dma_wait3A_181] : memref<884736xi32, #tpu.memory_space<vmem_shared>> -> memref<147456xi32, #tpu.memory_space<vmem_shared>>
            %dma_wait3A_183 = arith.constant 0 : i32
            %dma_wait3A_184 = tpu.memref_slice %dma_wait3A_182[%dma_wait3A_183] : memref<147456xi32, #tpu.memory_space<vmem_shared>> -> memref<147456xi32, #tpu.memory_space<vmem_shared>>
            tpu.wait_indirect_dma semaphore(%arg18 : memref<!tpu.dma_semaphore, #tpu.memory_space<semaphore_mem>>) src(%dma_wait3A_184 : memref<147456xi32, #tpu.memory_space<vmem_shared>>) dst(%dma_wait3A_179 : memref<192xi32, #tpu.memory_space<vmem>>)
            %dma_wait3A_185 = tpu.memref_slice %arg12[%add3A_156] : memref<9216xi32, #tpu.memory_space<vmem>> -> memref<192xi32, #tpu.memory_space<vmem>>
            %dma_wait3A_186 = tpu.memref_slice %arg13[%mul3A_136] : memref<1536xi32, #tpu.memory_space<vmem>> -> memref<192xi32, #tpu.memory_space<vmem>>
            %dma_wait3A_187 = arith.constant 589824 : i32
            %dma_wait3A_188 = tpu.memref_slice %arg7[%dma_wait3A_187] : memref<884736xi32, #tpu.memory_space<vmem_shared>> -> memref<147456xi32, #tpu.memory_space<vmem_shared>>
            %dma_wait3A_189 = arith.constant 0 : i32
            %dma_wait3A_190 = tpu.memref_slice %dma_wait3A_188[%dma_wait3A_189] : memref<147456xi32, #tpu.memory_space<vmem_shared>> -> memref<147456xi32, #tpu.memory_space<vmem_shared>>
            tpu.wait_indirect_dma semaphore(%arg18 : memref<!tpu.dma_semaphore, #tpu.memory_space<semaphore_mem>>) src(%dma_wait3A_190 : memref<147456xi32, #tpu.memory_space<vmem_shared>>) dst(%dma_wait3A_185 : memref<192xi32, #tpu.memory_space<vmem>>)
            %dma_wait3A_191 = tpu.memref_slice %arg12[%add3A_160] : memref<9216xi32, #tpu.memory_space<vmem>> -> memref<192xi32, #tpu.memory_space<vmem>>
            %dma_wait3A_192 = tpu.memref_slice %arg13[%mul3A_136] : memref<1536xi32, #tpu.memory_space<vmem>> -> memref<192xi32, #tpu.memory_space<vmem>>
            %dma_wait3A_193 = arith.constant 737280 : i32
            %dma_wait3A_194 = tpu.memref_slice %arg7[%dma_wait3A_193] : memref<884736xi32, #tpu.memory_space<vmem_shared>> -> memref<147456xi32, #tpu.memory_space<vmem_shared>>
            %dma_wait3A_195 = arith.constant 0 : i32
            %dma_wait3A_196 = tpu.memref_slice %dma_wait3A_194[%dma_wait3A_195] : memref<147456xi32, #tpu.memory_space<vmem_shared>> -> memref<147456xi32, #tpu.memory_space<vmem_shared>>
            tpu.wait_indirect_dma semaphore(%arg18 : memref<!tpu.dma_semaphore, #tpu.memory_space<semaphore_mem>>) src(%dma_wait3A_196 : memref<147456xi32, #tpu.memory_space<vmem_shared>>) dst(%dma_wait3A_191 : memref<192xi32, #tpu.memory_space<vmem>>)
            %sub3A_197 = arith.constant 1 : i32
            %sub3A_198 = arith.subi %scan3A_103, %sub3A_197 : i32
            %mul3A_199 = arith.constant 4 : i32
            %mul3A_200 = arith.muli %mul3A_199, %sub3A_198 : i32
            %add3A_201 = arith.addi %mul3A_200, %scan3A_133 : i32
            %add3A_202 = arith.addi %mul3A_126, %scan3A_133 : i32
            %mul3A_203 = arith.constant 192 : i32
            %mul3A_204 = arith.muli %add3A_201, %mul3A_203 : i32
            %mul3A_205 = arith.constant 192 : i32
            %mul3A_206 = arith.muli %add3A_202, %mul3A_205 : i32
            %mul3A_207 = arith.constant 1152 : i32
            %mul3A_208 = arith.muli %add3A_202, %mul3A_207 : i32
            %scan3A_209 = arith.constant 0 : i32
            %scan3A_210 = arith.constant 0 : i32
            %scan3A_211 = arith.constant 6 : i32
            %scan3A_212 = arith.addi %scan3A_210, %scan3A_211 : i32
            %scan3A_213 = arith.constant 1 : i32
            scf.for %scan3A_215 = %scan3A_210 to %scan3A_212 step %scan3A_213  : i32 {
              %mul3A_216 = arith.constant 32 : i32
              %mul3A_217 = arith.muli %scan3A_215, %mul3A_216 : i32
              %add3A_218 = arith.constant 0 : i32
              %add3A_219 = arith.addi %mul3A_217, %add3A_218 : i32
              %add3A_220 = arith.addi %mul3A_206, %add3A_219 : i32
              %get3A = arith.index_cast %add3A_220 : i32 to index
              %get3A_221 = tpu.vector_load %arg14[%get3A] {strides = array<i32>} : memref<1536xf32, #tpu.memory_space<vmem>>, vector<16xf32>,
              %get3A_222 = vector.shape_cast %get3A_221 : vector<16xf32> to vector<16xf32>
              %add3A_223 = arith.addi %mul3A_206, %add3A_219 : i32
              %get3A_224 = arith.index_cast %add3A_223 : i32 to index
              %get3A_225 = tpu.vector_load %arg15[%get3A_224] {strides = array<i32>} : memref<1536xf32, #tpu.memory_space<vmem>>, vector<16xf32>,
              %get3A_226 = vector.shape_cast %get3A_225 : vector<16xf32> to vector<16xf32>
              %add3A_227 = arith.addi %mul3A_204, %add3A_219 : i32
              %get3A_228 = arith.index_cast %add3A_227 : i32 to index
              %get3A_229 = tpu.vector_load %arg10[%get3A_228] {strides = array<i32>} : memref<9216xf32, #tpu.memory_space<vmem>>, vector<16xf32>,
              %get3A_230 = vector.shape_cast %get3A_229 : vector<16xf32> to vector<16xf32>
              %mul3A_231 = arith.mulf %get3A_230, %get3A_226 : vector<16xf32>
              %sub3A_232 = arith.subf %get3A_230, %mul3A_231 : vector<16xf32>
              %mul3A_233 = arith.mulf %get3A_230, %get3A_226 : vector<16xf32>
              %mul3A_234 = arith.mulf %sub3A_232, %get3A_222 : vector<16xf32>
              %sub3A_235 = arith.subf %sub3A_232, %mul3A_234 : vector<16xf32>
              %mul3A_236 = arith.mulf %mul3A_233, %get3A_222 : vector<16xf32>
              %sub3A_237 = arith.subf %mul3A_233, %mul3A_236 : vector<16xf32>
              %add3A_238 = arith.constant 0 : i32
              %add3A_239 = arith.addi %mul3A_208, %add3A_238 : i32
              %add3A_240 = arith.addi %add3A_239, %add3A_219 : i32
              %get3A_241 = arith.index_cast %add3A_240 : i32 to index
              %get3A_242 = tpu.vector_load %arg12[%get3A_241] {strides = array<i32>} : memref<9216xi32, #tpu.memory_space<vmem>>, vector<16xi32>,
              %get3A_243 = vector.shape_cast %get3A_242 : vector<16xi32> to vector<16xi32>
              %add3A_244 = arith.constant 192 : i32
              %add3A_245 = arith.addi %mul3A_208, %add3A_244 : i32
              %add3A_246 = arith.addi %add3A_245, %add3A_219 : i32
              %get3A_247 = arith.index_cast %add3A_246 : i32 to index
              %get3A_248 = tpu.vector_load %arg12[%get3A_247] {strides = array<i32>} : memref<9216xi32, #tpu.memory_space<vmem>>, vector<16xi32>,
              %get3A_249 = vector.shape_cast %get3A_248 : vector<16xi32> to vector<16xi32>
              %add3A_250 = arith.constant 384 : i32
              %add3A_251 = arith.addi %mul3A_208, %add3A_250 : i32
              %add3A_252 = arith.addi %add3A_251, %add3A_219 : i32
              %get3A_253 = arith.index_cast %add3A_252 : i32 to index
              %get3A_254 = tpu.vector_load %arg12[%get3A_253] {strides = array<i32>} : memref<9216xi32, #tpu.memory_space<vmem>>, vector<16xi32>,
              %get3A_255 = vector.shape_cast %get3A_254 : vector<16xi32> to vector<16xi32>
              %add3A_256 = arith.constant 576 : i32
              %add3A_257 = arith.addi %mul3A_208, %add3A_256 : i32
              %add3A_258 = arith.addi %add3A_257, %add3A_219 : i32
              %get3A_259 = arith.index_cast %add3A_258 : i32 to index
              %get3A_260 = tpu.vector_load %arg12[%get3A_259] {strides = array<i32>} : memref<9216xi32, #tpu.memory_space<vmem>>, vector<16xi32>,
              %get3A_261 = vector.shape_cast %get3A_260 : vector<16xi32> to vector<16xi32>
              %add3A_262 = arith.constant 768 : i32
              %add3A_263 = arith.addi %mul3A_208, %add3A_262 : i32
              %add3A_264 = arith.addi %add3A_263, %add3A_219 : i32
              %get3A_265 = arith.index_cast %add3A_264 : i32 to index
              %get3A_266 = tpu.vector_load %arg12[%get3A_265] {strides = array<i32>} : memref<9216xi32, #tpu.memory_space<vmem>>, vector<16xi32>,
              %get3A_267 = vector.shape_cast %get3A_266 : vector<16xi32> to vector<16xi32>
              %add3A_268 = arith.constant 960 : i32
              %add3A_269 = arith.addi %mul3A_208, %add3A_268 : i32
              %add3A_270 = arith.addi %add3A_269, %add3A_219 : i32
              %get3A_271 = arith.index_cast %add3A_270 : i32 to index
              %get3A_272 = tpu.vector_load %arg12[%get3A_271] {strides = array<i32>} : memref<9216xi32, #tpu.memory_space<vmem>>, vector<16xi32>,
              %get3A_273 = vector.shape_cast %get3A_272 : vector<16xi32> to vector<16xi32>
              %shift_left3A = arith.constant 16 : i32
              %shift_left3A_274 = vector.broadcast %shift_left3A : i32 to vector<16xi32>
              %shift_left3A_275 = arith.shli %get3A_243, %shift_left3A_274 : vector<16xi32>
              %bitcast_convert_type3A = tpu.bitcast %shift_left3A_275 : vector<16xi32> -> vector<16xf32>
              %and3A_276 = arith.constant -65536 : i32
              %and3A_277 = vector.broadcast %and3A_276 : i32 to vector<16xi32>
              %and3A_278 = arith.andi %get3A_243, %and3A_277 : vector<16xi32>
              %bitcast_convert_type3A_279 = tpu.bitcast %and3A_278 : vector<16xi32> -> vector<16xf32>
              %shift_left3A_280 = arith.constant 16 : i32
              %shift_left3A_281 = vector.broadcast %shift_left3A_280 : i32 to vector<16xi32>
              %shift_left3A_282 = arith.shli %get3A_249, %shift_left3A_281 : vector<16xi32>
              %bitcast_convert_type3A_283 = tpu.bitcast %shift_left3A_282 : vector<16xi32> -> vector<16xf32>
              %and3A_284 = arith.constant -65536 : i32
              %and3A_285 = vector.broadcast %and3A_284 : i32 to vector<16xi32>
              %and3A_286 = arith.andi %get3A_249, %and3A_285 : vector<16xi32>
              %bitcast_convert_type3A_287 = tpu.bitcast %and3A_286 : vector<16xi32> -> vector<16xf32>
              %shift_left3A_288 = arith.constant 16 : i32
              %shift_left3A_289 = vector.broadcast %shift_left3A_288 : i32 to vector<16xi32>
              %shift_left3A_290 = arith.shli %get3A_255, %shift_left3A_289 : vector<16xi32>
              %bitcast_convert_type3A_291 = tpu.bitcast %shift_left3A_290 : vector<16xi32> -> vector<16xf32>
              %and3A_292 = arith.constant -65536 : i32
              %and3A_293 = vector.broadcast %and3A_292 : i32 to vector<16xi32>
              %and3A_294 = arith.andi %get3A_255, %and3A_293 : vector<16xi32>
              %bitcast_convert_type3A_295 = tpu.bitcast %and3A_294 : vector<16xi32> -> vector<16xf32>
              %shift_left3A_296 = arith.constant 16 : i32
              %shift_left3A_297 = vector.broadcast %shift_left3A_296 : i32 to vector<16xi32>
              %shift_left3A_298 = arith.shli %get3A_261, %shift_left3A_297 : vector<16xi32>
              %bitcast_convert_type3A_299 = tpu.bitcast %shift_left3A_298 : vector<16xi32> -> vector<16xf32>
              %and3A_300 = arith.constant -65536 : i32
              %and3A_301 = vector.broadcast %and3A_300 : i32 to vector<16xi32>
              %and3A_302 = arith.andi %get3A_261, %and3A_301 : vector<16xi32>
              %bitcast_convert_type3A_303 = tpu.bitcast %and3A_302 : vector<16xi32> -> vector<16xf32>
              %shift_left3A_304 = arith.constant 16 : i32
              %shift_left3A_305 = vector.broadcast %shift_left3A_304 : i32 to vector<16xi32>
              %shift_left3A_306 = arith.shli %get3A_267, %shift_left3A_305 : vector<16xi32>
              %bitcast_convert_type3A_307 = tpu.bitcast %shift_left3A_306 : vector<16xi32> -> vector<16xf32>
              %and3A_308 = arith.constant -65536 : i32
              %and3A_309 = vector.broadcast %and3A_308 : i32 to vector<16xi32>
              %and3A_310 = arith.andi %get3A_267, %and3A_309 : vector<16xi32>
              %bitcast_convert_type3A_311 = tpu.bitcast %and3A_310 : vector<16xi32> -> vector<16xf32>
              %shift_left3A_312 = arith.constant 16 : i32
              %shift_left3A_313 = vector.broadcast %shift_left3A_312 : i32 to vector<16xi32>
              %shift_left3A_314 = arith.shli %get3A_273, %shift_left3A_313 : vector<16xi32>
              %bitcast_convert_type3A_315 = tpu.bitcast %shift_left3A_314 : vector<16xi32> -> vector<16xf32>
              %and3A_316 = arith.constant -65536 : i32
              %and3A_317 = vector.broadcast %and3A_316 : i32 to vector<16xi32>
              %and3A_318 = arith.andi %get3A_273, %and3A_317 : vector<16xi32>
              %bitcast_convert_type3A_319 = tpu.bitcast %and3A_318 : vector<16xi32> -> vector<16xf32>
              %mul3A_320 = arith.mulf %sub3A_235, %bitcast_convert_type3A : vector<16xf32>
              %mul3A_321 = arith.mulf %mul3A_234, %bitcast_convert_type3A_287 : vector<16xf32>
              %add3A_322 = arith.addf %mul3A_320, %mul3A_321 : vector<16xf32>
              %mul3A_323 = arith.mulf %sub3A_237, %bitcast_convert_type3A_299 : vector<16xf32>
              %add3A_324 = arith.addf %add3A_322, %mul3A_323 : vector<16xf32>
              %mul3A_325 = arith.mulf %mul3A_236, %bitcast_convert_type3A_311 : vector<16xf32>
              %add3A_326 = arith.addf %add3A_324, %mul3A_325 : vector<16xf32>
              %mul3A_327 = arith.constant 192 : i32
              %mul3A_328 = arith.muli %add3A_201, %mul3A_327 : i32
              %add3A_329 = arith.constant 0 : i32
              %add3A_330 = arith.addi %add3A_329, %mul3A_328 : i32
              %add3A_331 = arith.addi %add3A_330, %add3A_219 : i32
              %get3A_332 = arith.index_cast %add3A_331 : i32 to index
              %get3A_333 = tpu.vector_load %arg11[%get3A_332] {strides = array<i32>} : memref<27648xf32, #tpu.memory_space<vmem>>, vector<16xf32>,
              %get3A_334 = vector.shape_cast %get3A_333 : vector<16xf32> to vector<16xf32>
              %add3A_335 = arith.addf %get3A_334, %add3A_326 : vector<16xf32>
              %swap3A = arith.index_cast %add3A_331 : i32 to index
              %swap3A_336 = tpu.vector_load %arg11[%swap3A] {strides = array<i32>} : memref<27648xf32, #tpu.memory_space<vmem>>, vector<16xf32>,
              %swap3A_337 = vector.shape_cast %swap3A_336 : vector<16xf32> to vector<16xf32>
              %swap3A_338 = vector.shape_cast %add3A_335 : vector<16xf32> to vector<16xf32>
              tpu.vector_store %arg11[%swap3A], %swap3A_338 {strides = array<i32>} : memref<27648xf32, #tpu.memory_space<vmem>>, vector<16xf32>,
              %mul3A_339 = arith.mulf %sub3A_235, %bitcast_convert_type3A_279 : vector<16xf32>
              %mul3A_340 = arith.mulf %mul3A_234, %bitcast_convert_type3A_291 : vector<16xf32>
              %add3A_341 = arith.addf %mul3A_339, %mul3A_340 : vector<16xf32>
              %mul3A_342 = arith.mulf %sub3A_237, %bitcast_convert_type3A_303 : vector<16xf32>
              %add3A_343 = arith.addf %add3A_341, %mul3A_342 : vector<16xf32>
              %mul3A_344 = arith.mulf %mul3A_236, %bitcast_convert_type3A_315 : vector<16xf32>
              %add3A_345 = arith.addf %add3A_343, %mul3A_344 : vector<16xf32>
              %mul3A_346 = arith.constant 192 : i32
              %mul3A_347 = arith.muli %add3A_201, %mul3A_346 : i32
              %add3A_348 = arith.constant 9216 : i32
              %add3A_349 = arith.addi %add3A_348, %mul3A_347 : i32
              %add3A_350 = arith.addi %add3A_349, %add3A_219 : i32
              %get3A_351 = arith.index_cast %add3A_350 : i32 to index
              %get3A_352 = tpu.vector_load %arg11[%get3A_351] {strides = array<i32>} : memref<27648xf32, #tpu.memory_space<vmem>>, vector<16xf32>,
              %get3A_353 = vector.shape_cast %get3A_352 : vector<16xf32> to vector<16xf32>
              %add3A_354 = arith.addf %get3A_353, %add3A_345 : vector<16xf32>
              %swap3A_355 = arith.index_cast %add3A_350 : i32 to index
              %swap3A_356 = tpu.vector_load %arg11[%swap3A_355] {strides = array<i32>} : memref<27648xf32, #tpu.memory_space<vmem>>, vector<16xf32>,
              %swap3A_357 = vector.shape_cast %swap3A_356 : vector<16xf32> to vector<16xf32>
              %swap3A_358 = vector.shape_cast %add3A_354 : vector<16xf32> to vector<16xf32>
              tpu.vector_store %arg11[%swap3A_355], %swap3A_358 {strides = array<i32>} : memref<27648xf32, #tpu.memory_space<vmem>>, vector<16xf32>,
              %mul3A_359 = arith.mulf %sub3A_235, %bitcast_convert_type3A_283 : vector<16xf32>
              %mul3A_360 = arith.mulf %mul3A_234, %bitcast_convert_type3A_295 : vector<16xf32>
              %add3A_361 = arith.addf %mul3A_359, %mul3A_360 : vector<16xf32>
              %mul3A_362 = arith.mulf %sub3A_237, %bitcast_convert_type3A_307 : vector<16xf32>
              %add3A_363 = arith.addf %add3A_361, %mul3A_362 : vector<16xf32>
              %mul3A_364 = arith.mulf %mul3A_236, %bitcast_convert_type3A_319 : vector<16xf32>
              %add3A_365 = arith.addf %add3A_363, %mul3A_364 : vector<16xf32>
              %mul3A_366 = arith.constant 192 : i32
              %mul3A_367 = arith.muli %add3A_201, %mul3A_366 : i32
              %add3A_368 = arith.constant 18432 : i32
              %add3A_369 = arith.addi %add3A_368, %mul3A_367 : i32
              %add3A_370 = arith.addi %add3A_369, %add3A_219 : i32
              %get3A_371 = arith.index_cast %add3A_370 : i32 to index
              %get3A_372 = tpu.vector_load %arg11[%get3A_371] {strides = array<i32>} : memref<27648xf32, #tpu.memory_space<vmem>>, vector<16xf32>,
              %get3A_373 = vector.shape_cast %get3A_372 : vector<16xf32> to vector<16xf32>
              %add3A_374 = arith.addf %get3A_373, %add3A_365 : vector<16xf32>
              %swap3A_375 = arith.index_cast %add3A_370 : i32 to index
              %swap3A_376 = tpu.vector_load %arg11[%swap3A_375] {strides = array<i32>} : memref<27648xf32, #tpu.memory_space<vmem>>, vector<16xf32>,
              %swap3A_377 = vector.shape_cast %swap3A_376 : vector<16xf32> to vector<16xf32>
              %swap3A_378 = vector.shape_cast %add3A_374 : vector<16xf32> to vector<16xf32>
              tpu.vector_store %arg11[%swap3A_375], %swap3A_378 {strides = array<i32>} : memref<27648xf32, #tpu.memory_space<vmem>>, vector<16xf32>,
              %mul3A_379 = arith.constant 32 : i32
              %mul3A_380 = arith.muli %scan3A_215, %mul3A_379 : i32
              %add3A_381 = arith.constant 16 : i32
              %add3A_382 = arith.addi %mul3A_380, %add3A_381 : i32
              %add3A_383 = arith.addi %mul3A_206, %add3A_382 : i32
              %get3A_384 = arith.index_cast %add3A_383 : i32 to index
              %get3A_385 = tpu.vector_load %arg14[%get3A_384] {strides = array<i32>} : memref<1536xf32, #tpu.memory_space<vmem>>, vector<16xf32>,
              %get3A_386 = vector.shape_cast %get3A_385 : vector<16xf32> to vector<16xf32>
              %add3A_387 = arith.addi %mul3A_206, %add3A_382 : i32
              %get3A_388 = arith.index_cast %add3A_387 : i32 to index
              %get3A_389 = tpu.vector_load %arg15[%get3A_388] {strides = array<i32>} : memref<1536xf32, #tpu.memory_space<vmem>>, vector<16xf32>,
              %get3A_390 = vector.shape_cast %get3A_389 : vector<16xf32> to vector<16xf32>
              %add3A_391 = arith.addi %mul3A_204, %add3A_382 : i32
              %get3A_392 = arith.index_cast %add3A_391 : i32 to index
              %get3A_393 = tpu.vector_load %arg10[%get3A_392] {strides = array<i32>} : memref<9216xf32, #tpu.memory_space<vmem>>, vector<16xf32>,
              %get3A_394 = vector.shape_cast %get3A_393 : vector<16xf32> to vector<16xf32>
              %mul3A_395 = arith.mulf %get3A_394, %get3A_390 : vector<16xf32>
              %sub3A_396 = arith.subf %get3A_394, %mul3A_395 : vector<16xf32>
              %mul3A_397 = arith.mulf %get3A_394, %get3A_390 : vector<16xf32>
              %mul3A_398 = arith.mulf %sub3A_396, %get3A_386 : vector<16xf32>
              %sub3A_399 = arith.subf %sub3A_396, %mul3A_398 : vector<16xf32>
              %mul3A_400 = arith.mulf %mul3A_397, %get3A_386 : vector<16xf32>
              %sub3A_401 = arith.subf %mul3A_397, %mul3A_400 : vector<16xf32>
              %add3A_402 = arith.constant 0 : i32
              %add3A_403 = arith.addi %mul3A_208, %add3A_402 : i32
              %add3A_404 = arith.addi %add3A_403, %add3A_382 : i32
              %get3A_405 = arith.index_cast %add3A_404 : i32 to index
              %get3A_406 = tpu.vector_load %arg12[%get3A_405] {strides = array<i32>} : memref<9216xi32, #tpu.memory_space<vmem>>, vector<16xi32>,
              %get3A_407 = vector.shape_cast %get3A_406 : vector<16xi32> to vector<16xi32>
              %add3A_408 = arith.constant 192 : i32
              %add3A_409 = arith.addi %mul3A_208, %add3A_408 : i32
              %add3A_410 = arith.addi %add3A_409, %add3A_382 : i32
              %get3A_411 = arith.index_cast %add3A_410 : i32 to index
              %get3A_412 = tpu.vector_load %arg12[%get3A_411] {strides = array<i32>} : memref<9216xi32, #tpu.memory_space<vmem>>, vector<16xi32>,
              %get3A_413 = vector.shape_cast %get3A_412 : vector<16xi32> to vector<16xi32>
              %add3A_414 = arith.constant 384 : i32
              %add3A_415 = arith.addi %mul3A_208, %add3A_414 : i32
              %add3A_416 = arith.addi %add3A_415, %add3A_382 : i32
              %get3A_417 = arith.index_cast %add3A_416 : i32 to index
              %get3A_418 = tpu.vector_load %arg12[%get3A_417] {strides = array<i32>} : memref<9216xi32, #tpu.memory_space<vmem>>, vector<16xi32>,
              %get3A_419 = vector.shape_cast %get3A_418 : vector<16xi32> to vector<16xi32>
              %add3A_420 = arith.constant 576 : i32
              %add3A_421 = arith.addi %mul3A_208, %add3A_420 : i32
              %add3A_422 = arith.addi %add3A_421, %add3A_382 : i32
              %get3A_423 = arith.index_cast %add3A_422 : i32 to index
              %get3A_424 = tpu.vector_load %arg12[%get3A_423] {strides = array<i32>} : memref<9216xi32, #tpu.memory_space<vmem>>, vector<16xi32>,
              %get3A_425 = vector.shape_cast %get3A_424 : vector<16xi32> to vector<16xi32>
              %add3A_426 = arith.constant 768 : i32
              %add3A_427 = arith.addi %mul3A_208, %add3A_426 : i32
              %add3A_428 = arith.addi %add3A_427, %add3A_382 : i32
              %get3A_429 = arith.index_cast %add3A_428 : i32 to index
              %get3A_430 = tpu.vector_load %arg12[%get3A_429] {strides = array<i32>} : memref<9216xi32, #tpu.memory_space<vmem>>, vector<16xi32>,
              %get3A_431 = vector.shape_cast %get3A_430 : vector<16xi32> to vector<16xi32>
              %add3A_432 = arith.constant 960 : i32
              %add3A_433 = arith.addi %mul3A_208, %add3A_432 : i32
              %add3A_434 = arith.addi %add3A_433, %add3A_382 : i32
              %get3A_435 = arith.index_cast %add3A_434 : i32 to index
              %get3A_436 = tpu.vector_load %arg12[%get3A_435] {strides = array<i32>} : memref<9216xi32, #tpu.memory_space<vmem>>, vector<16xi32>,
              %get3A_437 = vector.shape_cast %get3A_436 : vector<16xi32> to vector<16xi32>
              %shift_left3A_438 = arith.constant 16 : i32
              %shift_left3A_439 = vector.broadcast %shift_left3A_438 : i32 to vector<16xi32>
              %shift_left3A_440 = arith.shli %get3A_407, %shift_left3A_439 : vector<16xi32>
              %bitcast_convert_type3A_441 = tpu.bitcast %shift_left3A_440 : vector<16xi32> -> vector<16xf32>
              %and3A_442 = arith.constant -65536 : i32
              %and3A_443 = vector.broadcast %and3A_442 : i32 to vector<16xi32>
              %and3A_444 = arith.andi %get3A_407, %and3A_443 : vector<16xi32>
              %bitcast_convert_type3A_445 = tpu.bitcast %and3A_444 : vector<16xi32> -> vector<16xf32>
              %shift_left3A_446 = arith.constant 16 : i32
              %shift_left3A_447 = vector.broadcast %shift_left3A_446 : i32 to vector<16xi32>
              %shift_left3A_448 = arith.shli %get3A_413, %shift_left3A_447 : vector<16xi32>
              %bitcast_convert_type3A_449 = tpu.bitcast %shift_left3A_448 : vector<16xi32> -> vector<16xf32>
              %and3A_450 = arith.constant -65536 : i32
              %and3A_451 = vector.broadcast %and3A_450 : i32 to vector<16xi32>
              %and3A_452 = arith.andi %get3A_413, %and3A_451 : vector<16xi32>
              %bitcast_convert_type3A_453 = tpu.bitcast %and3A_452 : vector<16xi32> -> vector<16xf32>
              %shift_left3A_454 = arith.constant 16 : i32
              %shift_left3A_455 = vector.broadcast %shift_left3A_454 : i32 to vector<16xi32>
              %shift_left3A_456 = arith.shli %get3A_419, %shift_left3A_455 : vector<16xi32>
              %bitcast_convert_type3A_457 = tpu.bitcast %shift_left3A_456 : vector<16xi32> -> vector<16xf32>
              %and3A_458 = arith.constant -65536 : i32
              %and3A_459 = vector.broadcast %and3A_458 : i32 to vector<16xi32>
              %and3A_460 = arith.andi %get3A_419, %and3A_459 : vector<16xi32>
              %bitcast_convert_type3A_461 = tpu.bitcast %and3A_460 : vector<16xi32> -> vector<16xf32>
              %shift_left3A_462 = arith.constant 16 : i32
              %shift_left3A_463 = vector.broadcast %shift_left3A_462 : i32 to vector<16xi32>
              %shift_left3A_464 = arith.shli %get3A_425, %shift_left3A_463 : vector<16xi32>
              %bitcast_convert_type3A_465 = tpu.bitcast %shift_left3A_464 : vector<16xi32> -> vector<16xf32>
              %and3A_466 = arith.constant -65536 : i32
              %and3A_467 = vector.broadcast %and3A_466 : i32 to vector<16xi32>
              %and3A_468 = arith.andi %get3A_425, %and3A_467 : vector<16xi32>
              %bitcast_convert_type3A_469 = tpu.bitcast %and3A_468 : vector<16xi32> -> vector<16xf32>
              %shift_left3A_470 = arith.constant 16 : i32
              %shift_left3A_471 = vector.broadcast %shift_left3A_470 : i32 to vector<16xi32>
              %shift_left3A_472 = arith.shli %get3A_431, %shift_left3A_471 : vector<16xi32>
              %bitcast_convert_type3A_473 = tpu.bitcast %shift_left3A_472 : vector<16xi32> -> vector<16xf32>
              %and3A_474 = arith.constant -65536 : i32
              %and3A_475 = vector.broadcast %and3A_474 : i32 to vector<16xi32>
              %and3A_476 = arith.andi %get3A_431, %and3A_475 : vector<16xi32>
              %bitcast_convert_type3A_477 = tpu.bitcast %and3A_476 : vector<16xi32> -> vector<16xf32>
              %shift_left3A_478 = arith.constant 16 : i32
              %shift_left3A_479 = vector.broadcast %shift_left3A_478 : i32 to vector<16xi32>
              %shift_left3A_480 = arith.shli %get3A_437, %shift_left3A_479 : vector<16xi32>
              %bitcast_convert_type3A_481 = tpu.bitcast %shift_left3A_480 : vector<16xi32> -> vector<16xf32>
              %and3A_482 = arith.constant -65536 : i32
              %and3A_483 = vector.broadcast %and3A_482 : i32 to vector<16xi32>
              %and3A_484 = arith.andi %get3A_437, %and3A_483 : vector<16xi32>
              %bitcast_convert_type3A_485 = tpu.bitcast %and3A_484 : vector<16xi32> -> vector<16xf32>
              %mul3A_486 = arith.mulf %sub3A_399, %bitcast_convert_type3A_441 : vector<16xf32>
              %mul3A_487 = arith.mulf %mul3A_398, %bitcast_convert_type3A_453 : vector<16xf32>
              %add3A_488 = arith.addf %mul3A_486, %mul3A_487 : vector<16xf32>
              %mul3A_489 = arith.mulf %sub3A_401, %bitcast_convert_type3A_465 : vector<16xf32>
              %add3A_490 = arith.addf %add3A_488, %mul3A_489 : vector<16xf32>
              %mul3A_491 = arith.mulf %mul3A_400, %bitcast_convert_type3A_477 : vector<16xf32>
              %add3A_492 = arith.addf %add3A_490, %mul3A_491 : vector<16xf32>
              %mul3A_493 = arith.constant 192 : i32
              %mul3A_494 = arith.muli %add3A_201, %mul3A_493 : i32
              %add3A_495 = arith.constant 0 : i32
              %add3A_496 = arith.addi %add3A_495, %mul3A_494 : i32
              %add3A_497 = arith.addi %add3A_496, %add3A_382 : i32
              %get3A_498 = arith.index_cast %add3A_497 : i32 to index
              %get3A_499 = tpu.vector_load %arg11[%get3A_498] {strides = array<i32>} : memref<27648xf32, #tpu.memory_space<vmem>>, vector<16xf32>,
              %get3A_500 = vector.shape_cast %get3A_499 : vector<16xf32> to vector<16xf32>
              %add3A_501 = arith.addf %get3A_500, %add3A_492 : vector<16xf32>
              %swap3A_502 = arith.index_cast %add3A_497 : i32 to index
              %swap3A_503 = tpu.vector_load %arg11[%swap3A_502] {strides = array<i32>} : memref<27648xf32, #tpu.memory_space<vmem>>, vector<16xf32>,
              %swap3A_504 = vector.shape_cast %swap3A_503 : vector<16xf32> to vector<16xf32>
              %swap3A_505 = vector.shape_cast %add3A_501 : vector<16xf32> to vector<16xf32>
              tpu.vector_store %arg11[%swap3A_502], %swap3A_505 {strides = array<i32>} : memref<27648xf32, #tpu.memory_space<vmem>>, vector<16xf32>,
              %mul3A_506 = arith.mulf %sub3A_399, %bitcast_convert_type3A_445 : vector<16xf32>
              %mul3A_507 = arith.mulf %mul3A_398, %bitcast_convert_type3A_457 : vector<16xf32>
              %add3A_508 = arith.addf %mul3A_506, %mul3A_507 : vector<16xf32>
              %mul3A_509 = arith.mulf %sub3A_401, %bitcast_convert_type3A_469 : vector<16xf32>
              %add3A_510 = arith.addf %add3A_508, %mul3A_509 : vector<16xf32>
              %mul3A_511 = arith.mulf %mul3A_400, %bitcast_convert_type3A_481 : vector<16xf32>
              %add3A_512 = arith.addf %add3A_510, %mul3A_511 : vector<16xf32>
              %mul3A_513 = arith.constant 192 : i32
              %mul3A_514 = arith.muli %add3A_201, %mul3A_513 : i32
              %add3A_515 = arith.constant 9216 : i32
              %add3A_516 = arith.addi %add3A_515, %mul3A_514 : i32
              %add3A_517 = arith.addi %add3A_516, %add3A_382 : i32
              %get3A_518 = arith.index_cast %add3A_517 : i32 to index
              %get3A_519 = tpu.vector_load %arg11[%get3A_518] {strides = array<i32>} : memref<27648xf32, #tpu.memory_space<vmem>>, vector<16xf32>,
              %get3A_520 = vector.shape_cast %get3A_519 : vector<16xf32> to vector<16xf32>
              %add3A_521 = arith.addf %get3A_520, %add3A_512 : vector<16xf32>
              %swap3A_522 = arith.index_cast %add3A_517 : i32 to index
              %swap3A_523 = tpu.vector_load %arg11[%swap3A_522] {strides = array<i32>} : memref<27648xf32, #tpu.memory_space<vmem>>, vector<16xf32>,
              %swap3A_524 = vector.shape_cast %swap3A_523 : vector<16xf32> to vector<16xf32>
              %swap3A_525 = vector.shape_cast %add3A_521 : vector<16xf32> to vector<16xf32>
              tpu.vector_store %arg11[%swap3A_522], %swap3A_525 {strides = array<i32>} : memref<27648xf32, #tpu.memory_space<vmem>>, vector<16xf32>,
              %mul3A_526 = arith.mulf %sub3A_399, %bitcast_convert_type3A_449 : vector<16xf32>
              %mul3A_527 = arith.mulf %mul3A_398, %bitcast_convert_type3A_461 : vector<16xf32>
              %add3A_528 = arith.addf %mul3A_526, %mul3A_527 : vector<16xf32>
              %mul3A_529 = arith.mulf %sub3A_401, %bitcast_convert_type3A_473 : vector<16xf32>
              %add3A_530 = arith.addf %add3A_528, %mul3A_529 : vector<16xf32>
              %mul3A_531 = arith.mulf %mul3A_400, %bitcast_convert_type3A_485 : vector<16xf32>
              %add3A_532 = arith.addf %add3A_530, %mul3A_531 : vector<16xf32>
              %mul3A_533 = arith.constant 192 : i32
              %mul3A_534 = arith.muli %add3A_201, %mul3A_533 : i32
              %add3A_535 = arith.constant 18432 : i32
              %add3A_536 = arith.addi %add3A_535, %mul3A_534 : i32
              %add3A_537 = arith.addi %add3A_536, %add3A_382 : i32
              %get3A_538 = arith.index_cast %add3A_537 : i32 to index
              %get3A_539 = tpu.vector_load %arg11[%get3A_538] {strides = array<i32>} : memref<27648xf32, #tpu.memory_space<vmem>>, vector<16xf32>,
              %get3A_540 = vector.shape_cast %get3A_539 : vector<16xf32> to vector<16xf32>
              %add3A_541 = arith.addf %get3A_540, %add3A_532 : vector<16xf32>
              %swap3A_542 = arith.index_cast %add3A_537 : i32 to index
              %swap3A_543 = tpu.vector_load %arg11[%swap3A_542] {strides = array<i32>} : memref<27648xf32, #tpu.memory_space<vmem>>, vector<16xf32>,
              %swap3A_544 = vector.shape_cast %swap3A_543 : vector<16xf32> to vector<16xf32>
              %swap3A_545 = vector.shape_cast %add3A_541 : vector<16xf32> to vector<16xf32>
              tpu.vector_store %arg11[%swap3A_542], %swap3A_545 {strides = array<i32>} : memref<27648xf32, #tpu.memory_space<vmem>>, vector<16xf32>,
            }
            %scan3A_214 = arith.constant 6 : i32
          }
          %scan3A_132 = arith.constant 4 : i32
        } else {
        }
      }
      %scan3A_102 = arith.constant 13 : i32
    }
    %scan3A_32 = arith.constant 49 : i32
    %scan3A_33 = arith.constant 0 : i32
    %scan3A_34 = arith.constant 0 : i32
    %scan3A_35 = arith.constant 36 : i32
    %scan3A_36 = arith.addi %scan3A_34, %scan3A_35 : i32
    %scan3A_37 = arith.constant 1 : i32
    scf.for %scan3A_39 = %scan3A_34 to %scan3A_36 step %scan3A_37  : i32 {
      %jit3A = arith.constant 12 : i32
      %div3A = arith.divsi %scan3A_39, %jit3A : i32
      %sign3A = arith.constant 0 : i32
      %sign3A_40 = arith.cmpi sgt, %scan3A_39, %sign3A : i32
      %sign3A_41 = arith.extui %sign3A_40 : i1 to i32
      %sign3A_42 = arith.constant 0 : i32
      %sign3A_43 = arith.cmpi slt, %scan3A_39, %sign3A_42 : i32
      %sign3A_44 = arith.extui %sign3A_43 : i1 to i32
      %sign3A_45 = arith.subi %sign3A_41, %sign3A_44 : i32
      %sign3A_46 = arith.constant 0 : i32
      %sign3A_47 = arith.cmpi sgt, %jit3A, %sign3A_46 : i32
      %sign3A_48 = arith.extui %sign3A_47 : i1 to i32
      %sign3A_49 = arith.constant 0 : i32
      %sign3A_50 = arith.cmpi slt, %jit3A, %sign3A_49 : i32
      %sign3A_51 = arith.extui %sign3A_50 : i1 to i32
      %sign3A_52 = arith.subi %sign3A_48, %sign3A_51 : i32
      %ne3A_53 = arith.cmpi ne, %sign3A_45, %sign3A_52 : i32
      %rem3A = arith.remsi %scan3A_39, %jit3A : i32
      %ne3A_54 = arith.constant 0 : i32
      %ne3A_55 = arith.cmpi ne, %rem3A, %ne3A_54 : i32
      %and3A = arith.andi %ne3A_53, %ne3A_55 : i1
      %sub3A = arith.constant 1 : i32
      %sub3A_56 = arith.subi %div3A, %sub3A : i32
      %select_n3A = arith.select %and3A, %sub3A_56, %div3A : i32
      %mul3A_57 = arith.constant 12 : i32
      %mul3A_58 = arith.muli %select_n3A, %mul3A_57 : i32
      %sub3A_59 = arith.subi %scan3A_39, %mul3A_58 : i32
      %mul3A_60 = arith.constant 9216 : i32
      %mul3A_61 = arith.muli %select_n3A, %mul3A_60 : i32
      %mul3A_62 = arith.constant 768 : i32
      %mul3A_63 = arith.muli %sub3A_59, %mul3A_62 : i32
      %add3A = arith.addi %mul3A_61, %mul3A_63 : i32
      %mul3A_64 = arith.constant 3 : i32
      %mul3A_65 = arith.muli %arg0, %mul3A_64 : i32
      %add3A_66 = arith.addi %mul3A_65, %select_n3A : i32
      %mul3A_67 = arith.constant 147456 : i32
      %mul3A_68 = arith.muli %add3A_66, %mul3A_67 : i32
      %add3A_69 = arith.addi %mul3A_68, %mul3A_2 : i32
      %mul3A_70 = arith.constant 768 : i32
      %mul3A_71 = arith.muli %sub3A_59, %mul3A_70 : i32
      %add3A_72 = arith.addi %add3A_69, %mul3A_71 : i32
      "tpu.region"() ({
        %run_scoped3A = tpu.sem_alloc : memref<!tpu.dma_semaphore, #tpu.memory_space<semaphore_mem>>
        %dma_start3A = tpu.memref_slice %arg11[%add3A] : memref<27648xf32, #tpu.memory_space<vmem>> -> memref<768xf32, #tpu.memory_space<vmem>>
        %dma_start3A_73 = tpu.memref_slice %arg6[%add3A_72] : memref<884736xf32, #tpu.memory_space<hbm>> -> memref<768xf32, #tpu.memory_space<hbm>>
        %dma_start3A_74 = tpu.memref_slice %arg6[%add3A_72] : memref<884736xf32, #tpu.memory_space<hbm>> -> memref<768xf32, #tpu.memory_space<hbm>>
        %dma_start3A_75 = tpu.memref_slice %arg11[%add3A] : memref<27648xf32, #tpu.memory_space<vmem>> -> memref<768xf32, #tpu.memory_space<vmem>>
        tpu.enqueue_dma source(%dma_start3A_75 : memref<768xf32, #tpu.memory_space<vmem>>) target(%dma_start3A_74 : memref<768xf32, #tpu.memory_space<hbm>>) target_semaphore(%run_scoped3A : memref<!tpu.dma_semaphore, #tpu.memory_space<semaphore_mem>>)
        %dma_wait3A = tpu.memref_slice %arg11[%add3A] : memref<27648xf32, #tpu.memory_space<vmem>> -> memref<768xf32, #tpu.memory_space<vmem>>
        %dma_wait3A_76 = tpu.memref_slice %arg6[%add3A_72] : memref<884736xf32, #tpu.memory_space<hbm>> -> memref<768xf32, #tpu.memory_space<hbm>>
        %dma_wait3A_77 = tpu.memref_slice %arg6[%add3A_72] : memref<884736xf32, #tpu.memory_space<hbm>> -> memref<768xf32, #tpu.memory_space<hbm>>
        %dma_wait3A_78 = tpu.memref_slice %arg11[%add3A] : memref<27648xf32, #tpu.memory_space<vmem>> -> memref<768xf32, #tpu.memory_space<vmem>>
        tpu.wait_dma2 semaphore(%run_scoped3A : memref<!tpu.dma_semaphore, #tpu.memory_space<semaphore_mem>>) src(%dma_wait3A_78 : memref<768xf32, #tpu.memory_space<vmem>>) dst(%dma_wait3A_77 : memref<768xf32, #tpu.memory_space<hbm>>)
        tpu.yield
      }) : () -> ()
    }
    %scan3A_38 = arith.constant 36 : i32
    return
  }
}

</mosaic_0001>

<sc_bundles>
// kernel: kernel.3.cloned.1.call-start
scs
__scs_entry_jumppad:
0x0: {  	(pc) =	sbr.rel $0x88, $3  }
0x1: {  	(tag) =	ssettag $0x0;
	lr =	simm.s32 $0x1  }
0x2: {  	[smem:$0x3F9E] =	sst lr;
	_ =	strace $0xD0000000  }
0x3: {  	_ = 	snop  }
0x4: {  	_ = 	snop  }
0x5: {  	_ = 	snop  }
0x6: {  	_ = 	snop  }
0x7: {  	_ = 	snop  }
__scs_overlays_trampoline_lowered:
0x8: {  	[smem:$0x3FAD] =	sst s0  }
0x9: {  	[smem:$0x3FAE] =	sst s1  }
0xa: {  	[smem:$0x3FAF] =	sst s2  }
0xb: {  	[smem:$0x3FB0] =	sst s3  }
0xc: {  	[smem:$0x3FB1] =	sst s4  }
0xd: {  	[smem:$0x3FB2] =	sst s5  }
0xe: {  	[smem:$0x3FB3] =	sst s6  }
0xf: {  	[smem:$0x3FB4] =	sst s7  }
0x10: {  	[smem:$0x3FB5] =	sst s8  }
0x11: {  	[smem:$0x3FB6] =	sst s9;
	s0 =	simm.s32 @!p0 $0x0  }
0x12: {  	s1 =	sld [smem:$0x3F9C];
	s0 =	simm.s32 @p0 $0x1  }
0x13: {  	[smem:$0x3FB7] =	sst s0;
	s0 =	simm.s32 @!p1 $0x0  }
0x14: {  	s2 =	sld [smem:$0x3F9B];
	s0 =	simm.s32 @p1 $0x1  }
0x15: {  	[smem:$0x3FB8] =	sst s0;
	s0 =	simm.s32 @!p2 $0x0  }
0x16: {  	s3 =	sld [smem:$0x3FDB];
	s0 =	simm.s32 @p2 $0x1  }
0x17: {  	s4 =	simm.s32 $0x1BF5;
	[smem:$0x3FBA] =	sst s0  }
0x18: {  	s0 =	sld [smem:$0x3F9D];
	_ =	swait.ge [sflag:s4], $0x0  }
0x19: {  	s7 =	sld [smem:$0x3F9E]  }
0x1a: {  	s8 =	sadd.s32 $0xFFFFE003, lr  }
0x1b: {  	s9 =	sadd.s32 $0xFFFFFEF7, lr;
	s5 =	simm.s32 $0xFFFFFFFF;
	p2 =	slt.u32 s8, $0xFFFFF086  }
0x1c: {  	p1 =	slt.u32 s9, $0xF7A;
	s5 =	simm.s32 @!p2 $0x0  }
0x1d: {  	s5 =	simm.s32 @p1 $0x1;
	p0 =	seq.s32 s7, s2  }
0x1e: {  	s7 =	smul.u32 @!p0 $0xF7A, s2;
	p2 =	seq.s32 @!p0 s5, $0x0  }
0x1f: {  	s9 =	smul.u32 $0xF7A, s1;
	s8 =	simm.s32 @!p0 $0x1BF5;
	p2 =	por !p2, p0  }
0x20: {  	[sflag:s8] =	ssyncset.s32 @!p0 $0xFFFFF086;
	s6 =	sadd.s32 @!p0 s3, s7;
	s7 =	simm.s32 @!p0 $0x108  }
0x21: {  	s3 =	sadd.s32 s3, s9;
	s6 =	sadd.s32 @!p0 $0x88, s6;
	s7 =	simm.s32 @p2 $0x1082  }
0x22: {  	[simem:s7], [sflag:s8] =	dma.local @!p0 [hbm:s6], $0xF7A  }
0x23: {  	s9 =	sor.u32 $0xD0000000, s2;
	s6 =	simm.s32 $0x108;
	_ =	swait.ge @!p0 [sflag:s8], $0x0  }
0x24: {  	s3 =	sadd.s32 $0x88, s3;
	s6 =	simm.s32 @!p1 $0x1082;
	[sflag:s4] =	ssyncset.s32 $0xFFFFF086  }
0x25: {  	[simem:s6], [sflag:s4] =	dma.local [hbm:s3], $0xF7A  }
0x26: {  	[smem:$0x3F9E] =	sst s1;
	(tag) =	ssettag s2;
	_ =	strace s9  }
0x27: {  	s1 =	sld [smem:$0x3FAE]  }
0x28: {  	s2 =	sld [smem:$0x3FAF]  }
0x29: {  	s4 =	sld [smem:$0x3FB1]  }
0x2a: {  	p0 =	seq.s32 s5, $0x0;
	s5 =	sld [smem:$0x3FB2]  }
0x2b: {  	s6 =	sld [smem:$0x3FB3]  }
0x2c: {  	s7 =	sld [smem:$0x3FB4]  }
0x2d: {  	s3 =	simm.s32 $0x108;
	s8 =	sld [smem:$0x3FB5]  }
0x2e: {  	s3 =	simm.s32 @!p0 $0x1082;
	s9 =	sld [smem:$0x3FB6]  }
0x2f: {  	lr =	sadd.s32 s0, s3;
	s0 =	sld [smem:$0x3FAD]  }
0x30: {  	s3 =	sld [smem:$0x3FB0]  }
0x31: {  	[smem:$0x3FB9] =	sst s10  }
0x32: {  	s10 =	sld [smem:$0x3FB7];
	_ =	sdelay $0x3  }
0x33: {  	p0 =	seq.s32 s10, $0x1;
	s10 =	sld [smem:$0x3FB9];
	_ =	sdelay $0x3  }
0x34: {  	[smem:$0x3FB9] =	sst s10  }
0x35: {  	s10 =	sld [smem:$0x3FB8];
	_ =	sdelay $0x3  }
0x36: {  	p1 =	seq.s32 s10, $0x1;
	s10 =	sld [smem:$0x3FB9];
	_ =	sdelay $0x3  }
0x37: {  	[smem:$0x3FB9] =	sst s10  }
0x38: {  	s10 =	sld [smem:$0x3FBA]  }
0x39: {  	_ = 	snop;
	(pc) =	sbr.ind lr, $3  }
0x3a: {  	_ = 	snop  }
0x3b: {  	_ = 	snop  }
0x3c: {  	p2 =	seq.s32 s10, $0x1;
	s10 =	sld [smem:$0x3FB9]  }
0x3d: {  	_ =	shalt  }
0x3e: {  	_ =	shalt  }
0x3f: {  	_ =	shalt  }
0x40: {  	_ =	shalt  }
0x41: {  	_ =	shalt  }
0x42: {  	_ =	shalt  }
0x43: {  	_ =	shalt  }
0x44: {  	_ =	shalt  }
0x45: {  	_ =	shalt  }
0x46: {  	_ =	shalt  }
0x47: {  	_ =	shalt  }
0x48: {  	_ =	shalt  }
0x49: {  	_ =	shalt  }
0x4a: {  	_ =	shalt  }
0x4b: {  	_ =	shalt  }
0x4c: {  	_ =	shalt  }
0x4d: {  	_ =	shalt  }
0x4e: {  	_ =	shalt  }
0x4f: {  	_ =	shalt  }
0x50: {  	_ =	shalt  }
0x51: {  	_ =	shalt  }
0x52: {  	_ =	shalt  }
0x53: {  	_ =	shalt  }
0x54: {  	_ =	shalt  }
0x55: {  	_ =	shalt  }
0x56: {  	_ =	shalt  }
0x57: {  	_ =	shalt  }
0x58: {  	_ =	shalt  }
0x59: {  	_ =	shalt  }
0x5a: {  	_ =	shalt  }
0x5b: {  	_ =	shalt  }
0x5c: {  	_ =	shalt  }
0x5d: {  	_ =	shalt  }
0x5e: {  	_ =	shalt  }
0x5f: {  	_ =	shalt  }
0x60: {  	_ =	shalt  }
0x61: {  	_ =	shalt  }
0x62: {  	_ =	shalt  }
0x63: {  	_ =	shalt  }
0x64: {  	_ =	shalt  }
0x65: {  	_ =	shalt  }
0x66: {  	_ =	shalt  }
0x67: {  	_ =	shalt  }
0x68: {  	_ =	shalt  }
0x69: {  	_ =	shalt  }
0x6a: {  	_ =	shalt  }
0x6b: {  	_ =	shalt  }
0x6c: {  	_ =	shalt  }
0x6d: {  	_ =	shalt  }
0x6e: {  	_ =	shalt  }
0x6f: {  	_ =	shalt  }
0x70: {  	_ =	shalt  }
0x71: {  	_ =	shalt  }
0x72: {  	_ =	shalt  }
0x73: {  	_ =	shalt  }
0x74: {  	_ =	shalt  }
0x75: {  	_ =	shalt  }
0x76: {  	_ =	shalt  }
0x77: {  	_ =	shalt  }
0x78: {  	_ =	shalt  }
0x79: {  	_ =	shalt  }
0x7a: {  	_ =	shalt  }
0x7b: {  	_ =	shalt  }
0x7c: {  	_ =	shalt  }
0x7d: {  	_ =	shalt  }
0x7e: {  	_ =	shalt  }
0x7f: {  	_ =	shalt  }
0x80: {  	_ =	shalt  }
0x81: {  	_ =	shalt  }
0x82: {  	_ =	shalt  }
0x83: {  	_ =	shalt  }
0x84: {  	_ =	shalt  }
0x85: {  	_ =	shalt  }
0x86: {  	_ =	shalt  }
0x87: {  	_ =	shalt  }
.Lfunc_end0:
.L_simem_size_0:
called_computation_lowered:
.L_overlay_start_0:
0x88: {  	s2 =	sld [smem:$0x3FD9]  }
0x89: {  	s3 =	sld [smem:$0x3FFE];
	_ =	sdelay $0x1  }
0x8a: {  	s1 =	srdreg.scid  }
0x8b: {  	s0 =	sand.u32 $0x1, s1  }
0x8c: {  	s17 =	sshll.u32 s0, $0xA;
	s2 =	sadd.s32 s3, s2  }
0x8d: {  	s2 =	sadd.s32 s2, s17  }
0x8e: {  	[smem:$0x3FC5] =	sst s2  }
0x8f: {  	_ = 	snop  }
0x90: {  	s2 =	sld [smem:$0x3FD0];
	(tm) =	ssettm $0x1  }
0x91: {  	s18 =	sld [smem:$0x3FFB];
	_ =	sdelay $0x3  }
0x92: {  	_ =	strace s18  }
0x93: {  	s3 =	sld [smem:$0x3FFC];
	_ =	sdelay $0x3  }
0x94: {  	_ =	strace s3  }
0x95: {  	s3 =	sld [smem:$0x3FFD];
	_ =	sdelay $0x3  }
0x96: {  	_ =	strace s3  }
0x97: {  	_ =	strace $0x8FFFFFFF  }
0x98: {  	s19 =	sld [smem:$0x3FDB];
	_ =	sdelay $0x1  }
0x99: {  	s4 =	simm.s32 $_scs_section_size  }
0x9a: {  	s5 =	simm.s32 $_size__tile_overlayer_lowered;
	s6 =	simm.s32 $_tile_overlayer_lowered  }
0x9b: {  	s22 =	simm.s32 $0x1BFF;
	s21 =	sshll.u32 s6, $0x1;
	s3 =	sadd.s32 s4, s19  }
0x9c: {  	s7 =	simm.s32 $0x0;
	s20 =	sshll.u32 s5, $0x1;
	s5 =	sadd.s32 s21, s3  }
0x9d: {  	[timem:s7], [sflag:s22] =	dma.local [hbm:s5], s20  }
0x9e: {  	_ =	swait.ge [sflag:s22], s20  }
0x9f: {  	s4 =	ssub.s32 $0x0, s20;
	[sflag:s22] =	ssyncset.done $0x0  }
0xa0: {  	[sflag:s22] =	ssyncadd.s32 s4;
	_ =	sdelay $0x1  }
0xa1: {  	s23 =	simm.s32 $0x1B8B  }
0xa2: {  	_ =	swait.ge [sflag:s23], $0x1  }
0xa3: {  	[sflag:s23] =	ssyncset.done $0x0  }
0xa4: {  	s25 =	simm.s32 $0x1B8E;
	s24 =	sld [smem:$0x3FFE];
	[sflag:s23] =	ssyncadd.s32 $0xFFFFFFFF  }
0xa5: {  	s26 =	simm.s32 $execute0_lowered;
	[smem:$0x3FD2] =	sst s25  }
0xa6: {  	s5 =	sshll.u32 s26, $0x1;
	_ =	strace $0x80000046;
	[dreg:$0x1] =	wrdreg $0xFFFFFFFF  }
0xa7: {  	s28 =	simm.s32 $_size_execute0_lowered;
	s3 =	sadd.s32 s3, s5;
	[dreg:$0x0] =	wrdreg $0x0  }
0xa8: {  	s5 =	sshll.u32 s28, $0x1;
	[dreg:$0x2] =	wrdreg s3  }
0xa9: {  	[dreg:$0x3] =	wrdreg s5  }
0xaa: {  	[dreg:$0x4] =	wrdreg $0xC0  }
0xab: {  	_ =	task [dreg:s7], $0x5FFFF  }
0xac: {  	[dreg:$0x1] =	wrdreg $0xFFFFFFFF  }
0xad: {  	[dreg:$0x0] =	wrdreg $0x60  }
0xae: {  	[dreg:$0x2] =	wrdreg s2  }
0xaf: {  	[dreg:$0x3] =	wrdreg s24  }
0xb0: {  	[dreg:$0x4] =	wrdreg $0x0  }
0xb1: {  	[dreg:$0x5] =	wrdreg $0x9  }
0xb2: {  	_ =	task.clear_ibuf [dreg:s7], $0x6FFFF;
	_ =	strace $0x90000046  }
0xb3: {  	s29 =	simm.s32 $0x9;
	_ =	strace $0x80000048  }
0xb4: {  	_ =	swait.ge [sflag:s29], $0x1  }
0xb5: {  	[sflag:s29] =	ssyncadd.s32 $0xFFFFFFFF  }
0xb6: {  	_ =	strace $0x90000048  }
0xb7: {  	_ =	sfence  }
0xb8: {  	s30 =	sld [smem:$0x0];
	_ =	sdelay $0x2  }
0xb9: {  	s31 =	sshll.u32 s1, $0xD;
	s1 =	sshrl.u32 s1, $0x2  }
0xba: {  	s3 =	sand.u32 $0x4000, s31;
	s1 =	sadd.s32 s1, s30  }
0xbb: {  	s0 =	sor.u32 s3, s0;
	s1 =	sshll.u32 s1, $0x11  }
0xbc: {  	s0 =	sor.u32 s1, s0  }
0xbd: {  	s0 =	sadd.s32 $0x8F2B, s0  }
0xbe: {  	[sflag:s0] =	ssyncadd.remote.s32 $0x1  }
0xbf: {  	_ =	sfence.sel $0xFFFF  }
0xc0: {  	[dreg:$0x0] =	wrdreg $0xFFFFFFFF;
	(pc) =	sbr.abs _section_cstart, $3  }
0xc1: {  	[dreg:$0x1] =	wrdreg $0xFFFFFFFF  }
0xc2: {  	_ =	task.clear_ibuf [dreg:s7], $0x2FFFF;
	_ =	strace $0x9FFFFFFF  }
0xc3: {  	(tm) =	ssettm $0x7FFFFFFF  }
tec
execute0_lowered:
.L_overlay_start_1:
0x0: {  	(tag) =	ssettag $0x1  }
0x1: {  	s0 =	rddreg [dreg:$0x0]  }
0x2: {  	s1 =	rddreg [dreg:$0x1]  }
0x3: {  	s2 =	rddreg [dreg:$0x2];
	s10 =	stileid.u32  }
0x4: {  	s16 =	simm.s32 $0x0;
	s5 =	srdreg.scid;
	s28 =	simm.s32 $0xC0  }
0x5: {  	s3 =	smul.u32 $0x1B00, s10;
	[smem:$0x7FF] =	sst s16;
	s6 =	sadd.s32 $0x1D4800, s1  }
0x6: {  	s5 =	sand.u32 $0x1, s5;
	s20 =	smul.u32 $0x2400, s10;
	s7 =	sadd.s32 $0x1B800, s1  }
0x7: {  	s17 =	sadd.s32 $0x546800, s1;
	s23 =	smul.u32 $0x18, s10;
	s11 =	sadd.s32 $0x24000, s2  }
0x8: {  	s12 =	sadd.s32 $0x48000, s2;
	s13 =	sadd.s32 $0x6C000, s2;
	s26 =	smul.u32 $0x36000, s10  }
0x9: {  	s14 =	sadd.s32 $0x90000, s2;
	_ =	strace $0x80000047;
	[dreg:$0x4] =	wrdreg s6  }
0xa: {  	s15 =	sadd.s32 $0xB4000, s2;
	[dreg:$0x5] =	wrdreg s7;
	s8 =	smul.u32 $0xDC8000, s5  }
0xb: {  	s21 =	ssub.s32 $0x2, s5;
	s9 =	smul.u32 $0x6E4000, s5;
	[dreg:$0x6] =	wrdreg s17  }
0xc: {  	s29 =	smul.u32 $0x6C000, s5;
	[dreg:$0x7] =	wrdreg s23;
	s24 =	sadd.s32 s8, s20  }
0xd: {  	p0 =	sne.s32 s5, $0x0;
	s25 =	sadd.s32 s9, s20;
	[dreg:$0x8] =	wrdreg s24  }
0xe: {  	s4 =	sadd.s32 s3, s1;
	s31 =	sadd.s32 s20, s29;
	[dreg:$0xa] =	wrdreg s25  }
0xf: {  	s22 =	sshrl.u32 s21, $0x1;
	s9 =	sadd.s32 $0x800, s4;
	[dreg:$0xf] =	wrdreg s31  }
0x10: {  	s1 =	ssub.s32 s21, s22;
	s7 =	sadd.s32 $0x24000, s24;
	[dreg:$0xc] =	wrdreg s9  }
0x11: {  	s30 =	sshrl.u32 s26, $0x2;
	s1 =	smax.u32 s1, $0x1;
	[dreg:$0x9] =	wrdreg s7  }
0x12: {  	s6 =	simm.s32 $0x1B000;
	[dreg:$0xb] =	wrdreg s1;
	s1 =	sadd.s32 s30, s2  }
0x13: {  	s26 =	simm.s32 $0x1;
	s7 =	sadd.s32 s3, s0;
	[dreg:$0xd] =	wrdreg s1  }
0x14: {  	v0 =	vlaneseq.u32;
	v1 =	vimm.f32 $0.0e+00;
	s22 =	simm.s32 $0x2;
	s1 =	simm.s32 $0x0;
	[dreg:$0xe] =	wrdreg s7  }
.LBB2_1:
.Ltmp0:
0x15: {  	(pc) =	sbr.rel @p0 .LBB2_5-.Ltmp0, $2  }
0x16: {  	_ =	sdelay $0x2  }
0x17: {  	[dreg:$0x10] =	wrdreg s1  }
0x18: {  	s0 =	sadd.s32 $0x0, s7  }
0x19: {  	[tilespmem:s6], [sflag:$0x2] =	stream.linear.gather [hbm4b:s0+s16], $0x1200, $0x38;
	[tilespmem:$0x1E900] =	vst v63  }
0x1a: {  	_ =	swait.ge [sflag:s22], $0x1200  }
0x1b: {  	[sflag:s22] =	ssyncset.done $0x0  }
0x1c: {  	s31 =	rddreg [dreg:$0xd];
	[sflag:s22] =	ssyncadd.s32 $0xFFFFEE00  }
0x1d: {  	[spmem:s31] =	stream.linear.scatter [tilespmem:s6], [sflag:$0x2], $0x1200, $0x38;
	[tilespmem:$0x1E900] =	vst v63  }
0x1e: {  	s1 =	simm.s32 $0x240;
	_ =	swait.ge [sflag:s22], $0x1200  }
0x1f: {  	s3 =	simm.s32 $0x480;
	s0 =	sadd.s32 $0x1200, s31;
	[sflag:s22] =	ssyncset.done $0x0  }
.LBB2_3:
0x20: {  	s4 =	sadd.s32 s1, s7  }
0x21: {  	[sflag:s22] =	ssyncadd.s32 $0xFFFFEE00;
	s1 =	smov.u32 s3;
	s5 =	sadd.s32 $0x240, s3  }
0x22: {  	[tilespmem:s6], [sflag:$0x2] =	stream.linear.gather [hbm4b:s4+s16], $0x1200, $0x38;
	[tilespmem:$0x1E900] =	vst v63  }
0x23: {  	p1 =	seq.s32 s3, $0x18C0;
	_ =	swait.ge [sflag:s22], $0x1200  }
.Ltmp1:
0x24: {  	[sflag:s22] =	ssyncset.done $0x0;
	(pc) =	sbr.rel @!p1 .LBB2_3-.Ltmp1, $4  }
0x25: {  	[sflag:s22] =	ssyncadd.s32 $0xFFFFEE00  }
0x26: {  	[spmem:s0] =	stream.linear.scatter [tilespmem:s6], [sflag:$0x2], $0x1200, $0x38;
	[tilespmem:$0x1E900] =	vst v63  }
0x27: {  	_ =	swait.ge [sflag:s22], $0x1200  }
0x28: {  	s3 =	smov.u32 s5;
	s0 =	sadd.s32 $0x1200, s0;
	[sflag:s22] =	ssyncset.done $0x0  }
0x29: {  	s1 =	sadd.s32 s1, s7;
	[sflag:s22] =	ssyncadd.s32 $0xFFFFEE00  }
0x2a: {  	[tilespmem:s6], [sflag:$0x2] =	stream.linear.gather [hbm4b:s1+s16], $0x1200, $0x38;
	[tilespmem:$0x1E900] =	vst v63  }
0x2b: {  	_ =	swait.ge [sflag:s22], $0x1200  }
0x2c: {  	[sflag:s22] =	ssyncset.done $0x0  }
.Ltmp2:
0x2d: {  	[sflag:s22] =	ssyncadd.s32 $0xFFFFEE00;
	(pc) =	sbr.rel .LBB2_8-.Ltmp2, $4  }
0x2e: {  	[spmem:s0] =	stream.linear.scatter [tilespmem:s6], [sflag:$0x2], $0x1200, $0x38;
	[tilespmem:$0x1E900] =	vst v63  }
0x2f: {  	_ =	swait.ge [sflag:s22], $0x1200  }
0x30: {  	[sflag:s22] =	ssyncset.done $0x0  }
0x31: {  	[sflag:s22] =	ssyncadd.s32 $0xFFFFEE00  }
.LBB2_5:
0x32: {  	s0 =	sadd.s32 $0x0, s9  }
0x33: {  	[tilespmem:s6], [sflag:$0x2] =	stream.linear.gather [hbm4b:s0+s16], $0x1200, $0x38;
	[tilespmem:$0x1E900] =	vst v63  }
0x34: {  	_ =	swait.ge [sflag:s22], $0x1200  }
0x35: {  	[sflag:s22] =	ssyncset.done $0x0  }
0x36: {  	s31 =	rddreg [dreg:$0xd];
	[sflag:s22] =	ssyncadd.s32 $0xFFFFEE00  }
0x37: {  	[spmem:s31] =	stream.linear.scatter [tilespmem:s6], [sflag:$0x2], $0x1200, $0x38;
	[tilespmem:$0x1E900] =	vst v63  }
0x38: {  	s1 =	simm.s32 $0x240;
	_ =	swait.ge [sflag:s22], $0x1200  }
0x39: {  	s3 =	simm.s32 $0x480;
	s0 =	sadd.s32 $0x1200, s31;
	[sflag:s22] =	ssyncset.done $0x0  }
.LBB2_6:
0x3a: {  	s4 =	sadd.s32 s1, s9  }
0x3b: {  	[sflag:s22] =	ssyncadd.s32 $0xFFFFEE00;
	s1 =	smov.u32 s3;
	s5 =	sadd.s32 $0x240, s3  }
0x3c: {  	[tilespmem:s6], [sflag:$0x2] =	stream.linear.gather [hbm4b:s4+s16], $0x1200, $0x38;
	[tilespmem:$0x1E900] =	vst v63  }
0x3d: {  	p1 =	sne.s32 s3, $0x18C0;
	_ =	swait.ge [sflag:s22], $0x1200  }
.Ltmp3:
0x3e: {  	[sflag:s22] =	ssyncset.done $0x0;
	(pc) =	sbr.rel @p1 .LBB2_6-.Ltmp3, $4  }
0x3f: {  	[sflag:s22] =	ssyncadd.s32 $0xFFFFEE00  }
0x40: {  	[spmem:s0] =	stream.linear.scatter [tilespmem:s6], [sflag:$0x2], $0x1200, $0x38;
	[tilespmem:$0x1E900] =	vst v63  }
0x41: {  	_ =	swait.ge [sflag:s22], $0x1200  }
0x42: {  	s3 =	smov.u32 s5;
	s0 =	sadd.s32 $0x1200, s0;
	[sflag:s22] =	ssyncset.done $0x0  }
0x43: {  	s1 =	sadd.s32 s1, s9;
	[sflag:s22] =	ssyncadd.s32 $0xFFFFEE00  }
0x44: {  	[tilespmem:s6], [sflag:$0x2] =	stream.linear.gather [hbm4b:s1+s16], $0x1200, $0x38;
	[tilespmem:$0x1E900] =	vst v63  }
0x45: {  	_ =	swait.ge [sflag:s22], $0x1200  }
0x46: {  	[sflag:s22] =	ssyncset.done $0x0  }
0x47: {  	[sflag:s22] =	ssyncadd.s32 $0xFFFFEE00  }
0x48: {  	[spmem:s0] =	stream.linear.scatter [tilespmem:s6], [sflag:$0x2], $0x1200, $0x38;
	[tilespmem:$0x1E900] =	vst v63  }
0x49: {  	_ =	swait.ge [sflag:s22], $0x1200  }
0x4a: {  	[sflag:s22] =	ssyncset.done $0x0  }
0x4b: {  	[sflag:s22] =	ssyncadd.s32 $0xFFFFEE00  }
.LBB2_8:
0x4c: {  	s0 =	simm.s32 $0x0  }
0x4d: {  	v2 =	vor.u32 s0, v0  }
0x4e: {  	s1 =	simm.s32 $0x10;
	v2 =	vcvt.s32.f32 v2  }
0x4f: {  	v3 =	vor.u32 s1, v0  }
0x50: {  	v3 =	vcvt.s32.f32 v3;
	v2 =	vmul.f32 $1.002610920e+00, v2;
	_ =	sdelay $0x1  }
0x51: {  	v3 =	vmul.f32 $1.002610920e+00, v3;
	v2 =	vadd.f32 $-5.000000000e-01, v2  }
0x52: {  	[bflag:$0x0] =	sbarrier.arrive $0xFFFF;
	s1 =	simm.s32 $0x1E600  }
0x53: {  	s3 =	simm.s32 $0x20;
	[tilespmem:s1+$0x0] =	vst v2;
	v2 =	vadd.f32 $-5.000000000e-01, v3  }
.LBB2_9:
0x54: {  	v3 =	vor.u32 s3, v0;
	p1 =	sne.s32 s3, $0x170;
	s3 =	sadd.s32 $0x10, s3;
	s1 =	sadd.s32 $0x10, s1  }
.Ltmp4:
0x55: {  	v3 =	vcvt.s32.f32 v3;
	[tilespmem:s1+$0x0] =	vst v2;
	(pc) =	sbr.rel @p1 .LBB2_9-.Ltmp4, $3  }
0x56: {  	_ = 	snop  }
0x57: {  	v2 =	vmul.f32 $1.002610920e+00, v3;
	_ =	sdelay $0x1  }
0x58: {  	v2 =	vadd.f32 $-5.000000000e-01, v2  }
0x59: {  	s3 =	rddreg [dreg:$0x7]  }
0x5a: {  	v3 =	vmov s3  }
0x5b: {  	v3 =	vcvt.s32.f32 v3;
	_ =	sdelay $0x1  }
0x5c: {  	v3 =	vmul.f32 $1.002610920e+00, v3  }
0x5d: {  	s1 =	sadd.s32 $0x10, s1  }
0x5e: {  	[tilespmem:s1+$0x0] =	vst v2;
	s1 =	simm.s32 $0x40;
	s3 =	sadd.s32 $0x1, s3;
	v2 =	vadd.f32 $-5.000000000e-01, v3  }
.LBB2_11:
0x5f: {  	v3 =	vmov s3;
	p1 =	sne.s32 s1, $0x5C0;
	s4 =	smov.u32 s1;
	s1 =	sadd.s32 $0x40, s1  }
.Ltmp5:
0x60: {  	v3 =	vcvt.s32.f32 v3;
	v2 =	vbroadcast v2, $0x0;
	(pc) =	sbr.rel @p1 .LBB2_11-.Ltmp5, $3  }
0x61: {  	s5 =	sshra.s32 s0, $0x2;
	s0 =	smov.u32 s4  }
0x62: {  	v3 =	vmul.f32 $1.002610920e+00, v3;
	[tilespmem:s5+$0x1E780] =	vst v2;
	_ =	sdelay $0x1  }
0x63: {  	s3 =	sadd.s32 $0x1, s3;
	v2 =	vadd.f32 $-5.000000000e-01, v3  }
0x64: {  	_ = 	snop  }
0x65: {  	v2 =	vbroadcast v2, $0x0  }
0x66: {  	s0 =	sshra.s32 s0, $0x2  }
0x67: {  	s4 =	simm.s32 $0x0;
	s1 =	simm.s32 $0x0;
	[tilespmem:s0+$0x1E780] =	vst v2;
	s0 =	simm.s32 $0x40  }
.LBB2_13:
0x68: {  	p1 =	sne.s32 s0, $0x1AFC0;
	[tilespmem:s1+$0x14400] =	vst v1;
	s1 =	smov.u32 s0;
	s0 =	sadd.s32 $0x40, s0  }
.Ltmp6:
0x69: {  	(pc) =	sbr.rel @p1 .LBB2_13-.Ltmp6, $2  }
0x6a: {  	_ =	sdelay $0x2  }
0x6b: {  	s1 =	sshra.s32 s1, $0x2  }
.Ltmp7:
0x6c: {  	(pc) =	sbr.rel .LBB2_15-.Ltmp7, $2  }
0x6d: {  	_ =	sdelay $0x2  }
0x6e: {  	[tilespmem:s1+$0x14400] =	vst v1  }
.LBB2_27:
0x6f: {  	s4 =	rddreg [dreg:$0x11]  }
0x70: {  	s4 =	sadd.s32 $0x1, s4  }
0x71: {  	p1 =	sne.s32 s4, $0x31  }
.Ltmp8:
0x72: {  	_ = 	snop;
	(pc) =	sbr.rel @!p1 .LBB2_28-.Ltmp8, $1  }
0x73: {  	_ =	sdelay $0x3  }
.LBB2_15:
0x74: {  	s0 =	smul.u32 $0x48000, s4;
	s1 =	rddreg [dreg:$0x8]  }
0x75: {  	s3 =	rddreg [dreg:$0x9]  }
0x76: {  	s20 =	smul.u32 $0x24000, s4;
	s21 =	rddreg [dreg:$0x4];
	s1 =	sadd.s32 s0, s1  }
0x77: {  	s31 =	simm.s32 $0x0;
	s5 =	simm.s32 $0xD800;
	s1 =	sshrl.u32 s1, $0x3  }
0x78: {  	s23 =	rddreg [dreg:$0xa];
	s0 =	sadd.s32 s0, s3;
	s1 =	sadd.s32 s21, s1  }
0x79: {  	[tilespmem:s5], [sflag:$0x1] =	stream.linear.gather [hbm4b:s1+s31], $0x2400, $0x38;
	[tilespmem:$0x1E900] =	vst v63  }
0x7a: {  	s24 =	simm.s32 $0xFC00;
	s0 =	sshrl.u32 s0, $0x3;
	s1 =	sadd.s32 s20, s23  }
0x7b: {  	s29 =	rddreg [dreg:$0x5];
	s0 =	sadd.s32 s21, s0;
	s25 =	sshrl.u32 s1, $0x3  }
0x7c: {  	[tilespmem:s24], [sflag:$0x1] =	stream.linear.gather [hbm4b:s0+s31], $0x2400, $0x38;
	[tilespmem:$0x1E900] =	vst v63  }
0x7d: {  	[dreg:$0x11] =	wrdreg s4;
	s30 =	simm.s32 $0x12000;
	s0 =	sadd.s32 s29, s25  }
0x7e: {  	[tilespmem:s30], [sflag:$0x1] =	stream.linear.gather [hbm4b:s0+s31], $0x2400, $0x38;
	[tilespmem:$0x1E900] =	vst v63  }
0x7f: {  	_ =	swait.ge [sflag:s26], $0x2400  }
0x80: {  	[sflag:s26] =	ssyncset.done $0x0  }
0x81: {  	[sflag:s26] =	ssyncadd.s32 $0xFFFFDC00  }
0x82: {  	_ =	swait.ge [sflag:s26], $0x2400  }
.Ltmp9:
0x83: {  	[sflag:s26] =	ssyncset.done $0x0;
	(pc) =	sbr.rel .LBB2_16-.Ltmp9, $4  }
0x84: {  	[sflag:s26] =	ssyncadd.s32 $0xFFFFDC00  }
0x85: {  	s10 =	simm.s32 $0x1E600;
	_ =	swait.ge [sflag:s26], $0x2400  }
0x86: {  	s16 =	simm.s32 $0xFC10;
	p1 =	por $0x0, $0x0;
	[sflag:s26] =	ssyncset.done $0x0  }
0x87: {  	s7 =	simm.s32 $0x0;
	s1 =	simm.s32 $0xD810;
	[sflag:s26] =	ssyncadd.s32 $0xFFFFDC00  }
.LBB2_26:
0x88: {  	s7 =	sadd.s32 $0x1, s7  }
0x89: {  	p2 =	sne.s32 s7, $0xD  }
.Ltmp10:
0x8a: {  	_ = 	snop;
	(pc) =	sbr.rel @!p2 .LBB2_27-.Ltmp10, $3  }
0x8b: {  	_ =	sdelay $0x1  }
0x8c: {  	s10 =	sadd.s32 $0x300, s10;
	s31 =	sadd.s32 $0x4, s31  }
0x8d: {  	s1 =	sadd.s32 $0x300, s1;
	s16 =	sadd.s32 $0x300, s16;
	p1 =	por !p1, !p1  }
.LBB2_16:
0x8e: {  	p2 =	seq.s32 s7, $0xC  }
.Ltmp11:
0x8f: {  	_ = 	snop;
	(pc) =	sbr.rel @p2 .LBB2_22-.Ltmp11, $2  }
0x90: {  	_ =	sdelay $0x2  }
0x91: {  	s5 =	simm.s32 $0x30  }
0x92: {  	s0 =	simm.s32 $0x1  }
0x93: {  	s0 =	simm.s32 @!p1 $0x0  }
0x94: {  	s0 =	smul.u32 $0xC00, s0  }
0x95: {  	s5 =	sshll.u32 s7, $0x2;
	s23 =	simm.s32 $0x0;
	p2 =	por $0x0, $0x0  }
0x96: {  	s24 =	smov.u32 s16;
	s25 =	smov.u32 s1;
	s0 =	sshrl.u32 s0, $0x2  }
0x97: {  	s29 =	smov.u32 s31;
	s20 =	sand.u32 $0x4, s5;
	s8 =	sadd.s32 $0x1DA10, s0  }
0x98: {  	s9 =	sor.u32 $0x1E010, s0;
	s18 =	sor.u32 $0x1D410, s0;
	s0 =	smov.u32 s10  }
.LBB2_18:
0x99: {  	s3 =	sor.u32 s5, s23  }
0x9a: {  	p3 =	seq.s32 s3, $0x0  }
0x9b: {  	p4 =	por !p3, !p2  }
0x9c: {  	s4 =	sshrl.u32 s29, $0x1;
	s6 =	simm.s32 $0xFFFFFFFF;
	p4 =	por !p4, !p4  }
0x9d: {  	s4 =	smul.u32 $0xFFFFFA00, s4;
	s6 =	simm.s32 @!p4 $0x0  }
0x9e: {  	s6 =	smul.u32 $0x600, s6;
	_ =	sdelay $0x1  }
0x9f: {  	s4 =	ssub.s32 s4, s6  }
0xa0: {  	s21 =	sand.u32 $0x1, s23;
	v2 =	vmov s25;
	s4 =	sshra.s32 s4, $0x2  }
0xa1: {  	v3 =	vmov s24;
	p6 =	seq.s32 s21, $0x1;
	s4 =	sadd.s32 s4, s0  }
0xa2: {  	p3 =	por !p3, !p6;
	v4 =	vmov s4  }
0xa3: {  	p3 =	por !p3, !p3;
	s4 =	simm.s32 $0x1  }
0xa4: {  	s17 =	simm.s32 $0x0;
	s3 =	sshrl.u32 s3, $0x1;
	s4 =	simm.s32 @!p3 $0x0  }
0xa5: {  	v5 =	vld.idx.msk [tilespmem:v2+s17+$0xFFFFFFF0 ss:$0x1], $0xffff;
	s3 =	ssub.s32 s3, s4  }
0xa6: {  	v6 =	vld.idx.msk [tilespmem:v3+s17+$0xFFFFFFF0 ss:$0x1], $0xffff;
	s3 =	sshll.u32 s3, $0x6  }
0xa7: {  	s30 =	sshra.s32 s3, $0x2;
	v7 =	vld.idx.msk [tilespmem:v4+s17+$0x0 ss:$0x1], $0xffff  }
0xa8: {  	v8 =	vld [tilespmem:s30+$0x1E780];
	_ =	sdelay $0x1  }
0xa9: {  	v5 =	vmul.f32 $1.002610920e+00, v5  }
0xaa: {  	v6 =	vmul.f32 $1.002610920e+00, v6  }
0xab: {  	v5 =	vadd.f32 v7, v5  }
0xac: {  	v6 =	vadd.f32 v6, v8  }
0xad: {  	v5 =	vmax.f32 v5, $0.0e+00  }
0xae: {  	v9 =	vmin.f32 v5, $3.830000000e+02;
	v5 =	vmax.f32 v6, $0.0e+00  }
0xaf: {  	v10 =	vmin.f32 v5, $3.830000000e+02;
	v5 =	vtrunc.f32 v9  }
0xb0: {  	v11 =	vcvt.f32.s32 v5;
	v6 =	vtrunc.f32 v10  }
0xb1: {  	v5 =	vmov s8;
	v12 =	vcvt.f32.s32 v6  }
0xb2: {  	v6 =	vmov s9;
	v13 =	vcvt.s32.f32 v11  }
0xb3: {  	v7 =	vmov s18;
	v14 =	vcvt.s32.f32 v12  }
0xb4: {  	v9 =	vsub.f32 v9, v13  }
0xb5: {  	v12 =	vmul.u32 $0x180, v12;
	v10 =	vsub.f32 v10, v14  }
0xb6: {  	[tilespmem:v5+s17+$0xFFFFFFF0 ss:$0x1] =	vst.idx.msk $0xffff, v9  }
0xb7: {  	v9 =	vadd.s32 v11, v12;
	[tilespmem:v6+s17+$0xFFFFFFF0 ss:$0x1] =	vst.idx.msk $0xffff, v10  }
0xb8: {  	[tilespmem:v7+s17+$0xFFFFFFF0 ss:$0x1] =	vst.idx.msk $0xffff, v9  }
0xb9: {  	v9 =	vld.idx.msk [tilespmem:v2+s17+$0x0 ss:$0x1], $0xffff  }
0xba: {  	v10 =	vld.idx.msk [tilespmem:v3+s17+$0x0 ss:$0x1], $0xffff  }
0xbb: {  	v11 =	vld.idx.msk [tilespmem:v4+s17+$0x10 ss:$0x1], $0xffff;
	_ =	sdelay $0x2  }
0xbc: {  	v9 =	vmul.f32 $1.002610920e+00, v9  }
0xbd: {  	v10 =	vmul.f32 $1.002610920e+00, v10  }
0xbe: {  	v9 =	vadd.f32 v11, v9  }
0xbf: {  	v8 =	vadd.f32 v10, v8  }
0xc0: {  	v9 =	vmax.f32 v9, $0.0e+00  }
0xc1: {  	v8 =	vmax.f32 v8, $0.0e+00;
	v9 =	vmin.f32 v9, $3.830000000e+02  }
0xc2: {  	v8 =	vmin.f32 v8, $3.830000000e+02;
	v10 =	vtrunc.f32 v9  }
0xc3: {  	v11 =	vtrunc.f32 v8;
	v10 =	vcvt.f32.s32 v10  }
0xc4: {  	v11 =	vcvt.f32.s32 v11  }
0xc5: {  	v61 =	vcvt.s32.f32 v10  }
0xc6: {  	v62 =	vcvt.s32.f32 v11  }
0xc7: {  	v9 =	vsub.f32 v9, v61  }
0xc8: {  	v11 =	vmul.u32 $0x180, v11;
	v63 =	vsub.f32 v8, v62  }
0xc9: {  	s19 =	sor.u32 s20, s23;
	[tilespmem:v5+s17+$0x0 ss:$0x1] =	vst.idx.msk $0xffff, v9  }
0xca: {  	s6 =	simm.s32 $0x100;
	s4 =	smul.u32 $0xC0, s19;
	s3 =	simm.s32 $0x80;
	v8 =	vadd.s32 v10, v11;
	[tilespmem:v6+s17+$0x0 ss:$0x1] =	vst.idx.msk $0xffff, v63  }
.LBB2_19:
0xcb: {  	p3 =	sne.s32 s6, $0x280  }
0xcc: {  	[tilespmem:v7+s17+$0x0 ss:$0x1] =	vst.idx.msk $0xffff, v8;
	s17 =	sshra.s32 s3, $0x2;
	s3 =	smov.u32 s6;
	s6 =	sadd.s32 $0x80, s6  }
0xcd: {  	v8 =	vld.idx.msk [tilespmem:v2+s17+$0xFFFFFFF0 ss:$0x1], $0xffff  }
0xce: {  	v9 =	vld.idx.msk [tilespmem:v3+s17+$0xFFFFFFF0 ss:$0x1], $0xffff  }
0xcf: {  	v10 =	vld.idx.msk [tilespmem:v4+s17+$0x0 ss:$0x1], $0xffff;
	_ =	sdelay $0x1  }
0xd0: {  	v11 =	vld [tilespmem:s30+$0x1E780];
	_ =	sdelay $0x1  }
0xd1: {  	v8 =	vmul.f32 $1.002610920e+00, v8  }
0xd2: {  	v9 =	vmul.f32 $1.002610920e+00, v9  }
0xd3: {  	v8 =	vadd.f32 v10, v8  }
0xd4: {  	v9 =	vadd.f32 v9, v11  }
0xd5: {  	v8 =	vmax.f32 v8, $0.0e+00  }
0xd6: {  	v8 =	vmin.f32 v8, $3.830000000e+02;
	v9 =	vmax.f32 v9, $0.0e+00  }
0xd7: {  	v10 =	vtrunc.f32 v8;
	v9 =	vmin.f32 v9, $3.830000000e+02  }
0xd8: {  	v10 =	vcvt.f32.s32 v10;
	v12 =	vtrunc.f32 v9  }
0xd9: {  	v12 =	vcvt.f32.s32 v12  }
0xda: {  	v13 =	vcvt.s32.f32 v10  }
0xdb: {  	v14 =	vcvt.s32.f32 v12;
	v12 =	vmul.u32 $0x180, v12  }
0xdc: {  	v8 =	vsub.f32 v8, v13  }
0xdd: {  	v9 =	vsub.f32 v9, v14;
	v10 =	vadd.s32 v10, v12  }
0xde: {  	[tilespmem:v5+s17+$0xFFFFFFF0 ss:$0x1] =	vst.idx.msk $0xffff, v8  }
0xdf: {  	[tilespmem:v6+s17+$0xFFFFFFF0 ss:$0x1] =	vst.idx.msk $0xffff, v9  }
0xe0: {  	[tilespmem:v7+s17+$0xFFFFFFF0 ss:$0x1] =	vst.idx.msk $0xffff, v10  }
0xe1: {  	v8 =	vld.idx.msk [tilespmem:v2+s17+$0x0 ss:$0x1], $0xffff  }
0xe2: {  	v9 =	vld.idx.msk [tilespmem:v3+s17+$0x0 ss:$0x1], $0xffff  }
0xe3: {  	v10 =	vld.idx.msk [tilespmem:v4+s17+$0x10 ss:$0x1], $0xffff;
	_ =	sdelay $0x3  }
0xe4: {  	v8 =	vmul.f32 $1.002610920e+00, v8  }
0xe5: {  	v9 =	vmul.f32 $1.002610920e+00, v9  }
0xe6: {  	v8 =	vadd.f32 v10, v8  }
0xe7: {  	v9 =	vadd.f32 v9, v11  }
0xe8: {  	v8 =	vmax.f32 v8, $0.0e+00  }
0xe9: {  	v8 =	vmin.f32 v8, $3.830000000e+02;
	v9 =	vmax.f32 v9, $0.0e+00  }
0xea: {  	v9 =	vmin.f32 v9, $3.830000000e+02;
	v10 =	vtrunc.f32 v8  }
0xeb: {  	v10 =	vcvt.f32.s32 v10;
	v11 =	vtrunc.f32 v9  }
0xec: {  	v11 =	vcvt.f32.s32 v11  }
0xed: {  	v12 =	vcvt.s32.f32 v10  }
.Ltmp12:
0xee: {  	v13 =	vcvt.s32.f32 v11;
	v11 =	vmul.u32 $0x180, v11;
	(pc) =	sbr.rel @p3 .LBB2_19-.Ltmp12, $4  }
0xef: {  	v12 =	vsub.f32 v8, v12  }
0xf0: {  	v9 =	vsub.f32 v9, v13;
	v8 =	vadd.s32 v10, v11  }
0xf1: {  	[tilespmem:v5+s17+$0x0 ss:$0x1] =	vst.idx.msk $0xffff, v12  }
0xf2: {  	[tilespmem:v6+s17+$0x0 ss:$0x1] =	vst.idx.msk $0xffff, v9  }
0xf3: {  	_ =	sdelay $0x3  }
0xf4: {  	s3 =	sshra.s32 s3, $0x2;
	[tilespmem:v7+s17+$0x0 ss:$0x1] =	vst.idx.msk $0xffff, v8  }
0xf5: {  	v8 =	vld.idx.msk [tilespmem:v2+s3+$0xFFFFFFF0 ss:$0x1], $0xffff  }
0xf6: {  	v9 =	vld.idx.msk [tilespmem:v3+s3+$0xFFFFFFF0 ss:$0x1], $0xffff  }
0xf7: {  	v10 =	vld.idx.msk [tilespmem:v4+s3+$0x0 ss:$0x1], $0xffff  }
0xf8: {  	v11 =	vld [tilespmem:s30+$0x1E780];
	_ =	sdelay $0x1  }
0xf9: {  	v8 =	vmul.f32 $1.002610920e+00, v8  }
0xfa: {  	v9 =	vmul.f32 $1.002610920e+00, v9  }
0xfb: {  	v8 =	vadd.f32 v10, v8  }
0xfc: {  	v9 =	vadd.f32 v9, v11  }
0xfd: {  	v8 =	vmax.f32 v8, $0.0e+00  }
0xfe: {  	v9 =	vmax.f32 v9, $0.0e+00;
	v8 =	vmin.f32 v8, $3.830000000e+02  }
0xff: {  	v9 =	vmin.f32 v9, $3.830000000e+02;
	v57 =	vtrunc.f32 v8  }
0x100: {  	v12 =	vtrunc.f32 v9;
	v10 =	vcvt.f32.s32 v57  }
0x101: {  	v12 =	vcvt.f32.s32 v12  }
0x102: {  	v13 =	vcvt.s32.f32 v10  }
0x103: {  	v14 =	vcvt.s32.f32 v12  }
0x104: {  	v8 =	vsub.f32 v8, v13  }
0x105: {  	v12 =	vmul.u32 $0x180, v12;
	v9 =	vsub.f32 v9, v14  }
0x106: {  	[tilespmem:v5+s3+$0xFFFFFFF0 ss:$0x1] =	vst.idx.msk $0xffff, v8  }
0x107: {  	v58 =	vadd.s32 v10, v12;
	[tilespmem:v6+s3+$0xFFFFFFF0 ss:$0x1] =	vst.idx.msk $0xffff, v9  }
0x108: {  	[tilespmem:v7+s3+$0xFFFFFFF0 ss:$0x1] =	vst.idx.msk $0xffff, v58  }
0x109: {  	v2 =	vld.idx.msk [tilespmem:v2+s3+$0x0 ss:$0x1], $0xffff  }
0x10a: {  	v3 =	vld.idx.msk [tilespmem:v3+s3+$0x0 ss:$0x1], $0xffff  }
0x10b: {  	v59 =	vld.idx.msk [tilespmem:v4+s3+$0x10 ss:$0x1], $0xffff;
	_ =	sdelay $0x2  }
0x10c: {  	v2 =	vmul.f32 $1.002610920e+00, v2  }
0x10d: {  	v3 =	vmul.f32 $1.002610920e+00, v3  }
0x10e: {  	v2 =	vadd.f32 v59, v2  }
0x10f: {  	v3 =	vadd.f32 v3, v11  }
0x110: {  	v2 =	vmax.f32 v2, $0.0e+00  }
0x111: {  	v3 =	vmax.f32 v3, $0.0e+00;
	v2 =	vmin.f32 v2, $3.830000000e+02  }
0x112: {  	v3 =	vmin.f32 v3, $3.830000000e+02;
	v60 =	vtrunc.f32 v2  }
0x113: {  	v61 =	vtrunc.f32 v3;
	v4 =	vcvt.f32.s32 v60  }
0x114: {  	v8 =	vcvt.f32.s32 v61  }
0x115: {  	v62 =	vcvt.s32.f32 v4  }
0x116: {  	v63 =	vcvt.s32.f32 v8  }
0x117: {  	v2 =	vsub.f32 v2, v62  }
0x118: {  	s6 =	smul.u32 $0x1200, s19;
	v8 =	vmul.u32 $0x180, v8;
	v3 =	vsub.f32 v3, v63  }
0x119: {  	[tilespmem:v5+s3+$0x0 ss:$0x1] =	vst.idx.msk $0xffff, v2  }
0x11a: {  	s6 =	sshra.s32 s6, $0x2;
	v2 =	vadd.s32 v4, v8;
	[tilespmem:v6+s3+$0x0 ss:$0x1] =	vst.idx.msk $0xffff, v3  }
0x11b: {  	s4 =	sadd.s32 $0x1D400, s4;
	s21 =	sadd.s32 $0x1B000, s6;
	[tilespmem:v7+s3+$0x0 ss:$0x1] =	vst.idx.msk $0xffff, v2  }
0x11c: {  	[tilespmem:s21], [sflag:$0x1] =	stream.indirect.gather [spmem:s2], $0x1, s4, s28, $0xb8;
	[tilespmem:$0x1E900] =	vst v63  }
0x11d: {  	s30 =	sadd.s32 $0x1B0C0, s6  }
0x11e: {  	[tilespmem:s30], [sflag:$0x1] =	stream.indirect.gather [spmem:s11], $0x1, s4, s28, $0xb8;
	[tilespmem:$0x1E900] =	vst v63  }
0x11f: {  	s23 =	sadd.s32 $0x1, s23;
	s0 =	sadd.s32 $0xC0, s0;
	s17 =	sadd.s32 $0x1B180, s6  }
0x120: {  	[tilespmem:s17], [sflag:$0x1] =	stream.indirect.gather [spmem:s12], $0x1, s4, s28, $0xb8;
	[tilespmem:$0x1E900] =	vst v63  }
0x121: {  	s29 =	sadd.s32 $0x1, s29;
	p3 =	sne.s32 s23, $0x4;
	s19 =	sadd.s32 $0x1B240, s6  }
0x122: {  	[tilespmem:s19], [sflag:$0x1] =	stream.indirect.gather [spmem:s13], $0x1, s4, s28, $0xb8;
	[tilespmem:$0x1E900] =	vst v63  }
.Ltmp13:
0x123: {  	p2 =	por !p2, !p2;
	s25 =	sadd.s32 $0xC0, s25;
	(pc) =	sbr.rel @p3 .LBB2_18-.Ltmp13, $4  }
0x124: {  	s24 =	sadd.s32 $0xC0, s24;
	s8 =	sadd.s32 $0xC0, s8;
	s21 =	sadd.s32 $0x1B300, s6  }
0x125: {  	[tilespmem:s21], [sflag:$0x1] =	stream.indirect.gather [spmem:s14], $0x1, s4, s28, $0xb8;
	[tilespmem:$0x1E900] =	vst v63  }
0x126: {  	s9 =	sadd.s32 $0xC0, s9;
	s18 =	sadd.s32 $0xC0, s18;
	s30 =	sadd.s32 $0x1B3C0, s6  }
0x127: {  	[tilespmem:s30], [sflag:$0x1] =	stream.indirect.gather [spmem:s15], $0x1, s4, s28, $0xb8;
	[tilespmem:$0x1E900] =	vst v63  }
0x128: {  	p2 =	seq.s32 s7, $0x0  }
.Ltmp14:
0x129: {  	_ = 	snop;
	(pc) =	sbr.rel @p2 .LBB2_26-.Ltmp14, $1  }
0x12a: {  	_ =	sdelay $0x3  }
.LBB2_22:
0x12b: {  	s0 =	sadd.s32 $0xFFFFFFFC, s5  }
0x12c: {  	s0 =	sshrl.u32 s0, $0x2  }
0x12d: {  	s3 =	smul.u32 $0x300, s5;
	s0 =	sand.u32 $0x1, s0  }
0x12e: {  	s4 =	smul.u32 $0xC00, s0  }
0x12f: {  	s5 =	simm.s32 $0x0;
	s3 =	sshra.s32 s3, $0x2;
	s21 =	smul.u32 $0x4800, s0  }
0x130: {  	s9 =	simm.s32 $0x0;
	s18 =	sadd.s32 $0x14400, s3;
	s20 =	smul.u32 $0x1200, s0  }
0x131: {  	s29 =	sadd.s32 $0x11D00, s3;
	s25 =	sshrl.u32 s4, $0x2;
	s30 =	sshrl.u32 s21, $0x2  }
0x132: {  	s23 =	sor.u32 $0x1E000, s25;
	s24 =	sadd.s32 $0x1DA00, s25;
	s25 =	sadd.s32 $0x1B240, s30  }
.LBB2_23:
0x133: {  	_ =	swait.ge [sflag:s26], $0xC0  }
0x134: {  	[sflag:s26] =	ssyncset.done $0x0  }
0x135: {  	[sflag:s26] =	ssyncadd.s32 $0xFFFFFF40  }
0x136: {  	_ =	swait.ge [sflag:s26], $0xC0  }
0x137: {  	[sflag:s26] =	ssyncset.done $0x0  }
0x138: {  	[sflag:s26] =	ssyncadd.s32 $0xFFFFFF40  }
0x139: {  	_ =	swait.ge [sflag:s26], $0xC0  }
0x13a: {  	[sflag:s26] =	ssyncset.done $0x0  }
0x13b: {  	[sflag:s26] =	ssyncadd.s32 $0xFFFFFF40  }
0x13c: {  	_ =	swait.ge [sflag:s26], $0xC0  }
0x13d: {  	[sflag:s26] =	ssyncset.done $0x0  }
0x13e: {  	[sflag:s26] =	ssyncadd.s32 $0xFFFFFF40  }
0x13f: {  	_ =	swait.ge [sflag:s26], $0xC0  }
0x140: {  	v2 =	vmov s23;
	[sflag:s26] =	ssyncset.done $0x0  }
0x141: {  	v3 =	vmov s29;
	[sflag:s26] =	ssyncadd.s32 $0xFFFFFF40  }
0x142: {  	_ =	swait.ge [sflag:s26], $0xC0  }
0x143: {  	[sflag:s26] =	ssyncset.done $0x0  }
0x144: {  	s8 =	simm.s32 $0x0;
	[sflag:s26] =	ssyncadd.s32 $0xFFFFFF40  }
0x145: {  	v4 =	vmov s24;
	v6 =	vld.idx.msk [tilespmem:v2+s8+$0x0 ss:$0x1], $0xffff  }
0x146: {  	v7 =	vld.idx.msk [tilespmem:v3+s8+$0x0 ss:$0x1], $0xffff  }
0x147: {  	v5 =	vmov s25;
	_ =	sdelay $0x1  }
0x148: {  	s4 =	sadd.s32 $0x0, s20  }
0x149: {  	s0 =	sand.u32 $0x3F80, s4;
	v8 =	vld.idx.msk [tilespmem:v4+s8+$0x0 ss:$0x1], $0xffff  }
0x14a: {  	s6 =	sand.u32 $0x60, s5;
	s0 =	sadd.s32 $0x1B000, s0;
	v9 =	vmul.f32 v7, v6  }
0x14b: {  	s3 =	sor.u32 s6, s0;
	v10 =	vld.idx.msk [tilespmem:v5+s8+$0xFFFFFE80 ss:$0x1], $0xffff  }
0x14c: {  	s17 =	sadd.s32 $0x300, s4;
	v11 =	vld [tilespmem:s3+$0x0];
	v7 =	vsub.f32 v7, v9  }
0x14d: {  	s21 =	sand.u32 $0x7F80, s17  }
0x14e: {  	s3 =	sadd.s32 $0x1B000, s21;
	v12 =	vld.idx.msk [tilespmem:v5+s8+$0x0 ss:$0x1], $0xffff;
	v13 =	vmul.f32 v7, v8  }
0x14f: {  	s30 =	sor.u32 s6, s3  }
0x150: {  	s4 =	sadd.s32 $0x180, s4;
	v14 =	vld [tilespmem:s30+$0x0];
	v6 =	vmov s18;
	v8 =	vmul.f32 v9, v8;
	v7 =	vsub.f32 v7, v13  }
0x151: {  	s4 =	sand.u32 $0x7F80, s4;
	v15 =	vshll.u32 v11, $0x10;
	v16 =	vand.u32 $0xFFFF0000, v10  }
0x152: {  	s4 =	sadd.s32 $0x1B000, s4;
	v9 =	vsub.f32 v9, v8;
	v16 =	vmul.f32 v16, v13;
	v15 =	vmul.f32 v15, v7  }
0x153: {  	s6 =	sor.u32 s6, s4;
	v17 =	vshll.u32 v12, $0x10  }
0x154: {  	v18 =	vld [tilespmem:s6+$0x0];
	v17 =	vmul.f32 v17, v9;
	v15 =	vadd.f32 v16, v15  }
0x155: {  	v19 =	vand.u32 $0xFFFF0000, v14;
	v40 =	vld.idx.msk [tilespmem:v6+s8+$0xFFFFFD00 ss:$0x1], $0xffff  }
0x156: {  	v19 =	vmul.f32 v19, v8;
	v15 =	vadd.f32 v17, v15;
	_ =	sdelay $0x1  }
0x157: {  	v41 =	vld.idx.msk [tilespmem:v5+s8+$0x180 ss:$0x1], $0xffff;
	v15 =	vadd.f32 v19, v15  }
0x158: {  	v11 =	vand.u32 $0xFFFF0000, v11;
	v42 =	vshll.u32 v18, $0x10  }
0x159: {  	v43 =	vmul.f32 v42, v13;
	v11 =	vmul.f32 v11, v7;
	v15 =	vadd.f32 v15, v40  }
0x15a: {  	v12 =	vand.u32 $0xFFFF0000, v12  }
0x15b: {  	v12 =	vmul.f32 v12, v9;
	v11 =	vadd.f32 v43, v11;
	[tilespmem:v6+s8+$0xFFFFFD00 ss:$0x1] =	vst.idx.msk $0xffff, v15  }
0x15c: {  	v44 =	vshll.u32 v41, $0x10;
	v45 =	vld.idx.msk [tilespmem:v6+s8+$0x2100 ss:$0x1], $0xffff  }
0x15d: {  	v46 =	vmul.f32 v44, v8;
	v11 =	vadd.f32 v12, v11;
	_ =	sdelay $0x1  }
0x15e: {  	v11 =	vadd.f32 v46, v11  }
0x15f: {  	v10 =	vshll.u32 v10, $0x10;
	v47 =	vand.u32 $0xFFFF0000, v18  }
0x160: {  	v7 =	vmul.f32 v10, v7;
	v10 =	vmul.f32 v47, v13;
	v11 =	vadd.f32 v11, v45  }
0x161: {  	v48 =	vshll.u32 v14, $0x10  }
0x162: {  	v9 =	vmul.f32 v48, v9;
	v7 =	vadd.f32 v10, v7;
	[tilespmem:v6+s8+$0x2100 ss:$0x1] =	vst.idx.msk $0xffff, v11  }
0x163: {  	v10 =	vand.u32 $0xFFFF0000, v41;
	v11 =	vld.idx.msk [tilespmem:v6+s8+$0x4500 ss:$0x1], $0xffff  }
0x164: {  	v8 =	vmul.f32 v10, v8;
	v7 =	vadd.f32 v9, v7;
	_ =	sdelay $0x1  }
0x165: {  	v7 =	vadd.f32 v8, v7;
	_ =	sdelay $0x1  }
0x166: {  	v7 =	vadd.f32 v11, v7;
	_ =	sdelay $0x1  }
0x167: {  	[tilespmem:v6+s8+$0x4500 ss:$0x1] =	vst.idx.msk $0xffff, v7  }
0x168: {  	v7 =	vld.idx.msk [tilespmem:v2+s8+$0x10 ss:$0x1], $0xffff  }
0x169: {  	v8 =	vld.idx.msk [tilespmem:v3+s8+$0x10 ss:$0x1], $0xffff;
	_ =	sdelay $0x3  }
0x16a: {  	s19 =	simm.s32 $0x10;
	v9 =	vld.idx.msk [tilespmem:v4+s8+$0x10 ss:$0x1], $0xffff  }
0x16b: {  	s6 =	sand.u32 $0x70, s19;
	v7 =	vmul.f32 v8, v7  }
0x16c: {  	s0 =	sor.u32 s6, s0;
	v10 =	vld.idx.msk [tilespmem:v5+s8+$0xFFFFFE90 ss:$0x1], $0xffff  }
0x16d: {  	v11 =	vld [tilespmem:s0+$0x0];
	v8 =	vsub.f32 v8, v7;
	_ =	sdelay $0x1  }
0x16e: {  	v49 =	vld.idx.msk [tilespmem:v5+s8+$0x10 ss:$0x1], $0xffff;
	v50 =	vmul.f32 v8, v9  }
0x16f: {  	s21 =	sor.u32 s6, s3  }
0x170: {  	v51 =	vld [tilespmem:s21+$0x0];
	v9 =	vmul.f32 v7, v9;
	v8 =	vsub.f32 v8, v50  }
0x171: {  	v52 =	vshll.u32 v11, $0x10;
	v53 =	vand.u32 $0xFFFF0000, v10  }
0x172: {  	v7 =	vsub.f32 v7, v9;
	v16 =	vmul.f32 v53, v50;
	v15 =	vmul.f32 v52, v8  }
0x173: {  	s30 =	sor.u32 s6, s4;
	v54 =	vshll.u32 v49, $0x10  }
0x174: {  	v55 =	vld [tilespmem:s30+$0x0];
	v17 =	vmul.f32 v54, v7;
	v15 =	vadd.f32 v16, v15  }
0x175: {  	v56 =	vld.idx.msk [tilespmem:v6+s8+$0xFFFFFD10 ss:$0x1], $0xffff;
	v57 =	vand.u32 $0xFFFF0000, v51  }
0x176: {  	v19 =	vmul.f32 v57, v9;
	v15 =	vadd.f32 v17, v15;
	_ =	sdelay $0x1  }
0x177: {  	v58 =	vld.idx.msk [tilespmem:v5+s8+$0x190 ss:$0x1], $0xffff;
	v15 =	vadd.f32 v19, v15  }
0x178: {  	v11 =	vand.u32 $0xFFFF0000, v11;
	v59 =	vshll.u32 v55, $0x10  }
0x179: {  	v11 =	vmul.f32 v11, v8;
	v19 =	vmul.f32 v59, v50;
	v15 =	vadd.f32 v15, v56  }
0x17a: {  	v12 =	vand.u32 $0xFFFF0000, v49  }
0x17b: {  	v12 =	vmul.f32 v12, v7;
	v11 =	vadd.f32 v19, v11;
	[tilespmem:v6+s8+$0xFFFFFD10 ss:$0x1] =	vst.idx.msk $0xffff, v15  }
0x17c: {  	v60 =	vshll.u32 v58, $0x10;
	v61 =	vld.idx.msk [tilespmem:v6+s8+$0x2110 ss:$0x1], $0xffff  }
0x17d: {  	v62 =	vmul.f32 v60, v9;
	v11 =	vadd.f32 v12, v11  }
0x17e: {  	v10 =	vshll.u32 v10, $0x10;
	v18 =	vand.u32 $0xFFFF0000, v55  }
0x17f: {  	v8 =	vmul.f32 v10, v8;
	v10 =	vmul.f32 v18, v50;
	v11 =	vadd.f32 v62, v11;
	_ =	sdelay $0x1  }
0x180: {  	v63 =	vshll.u32 v51, $0x10;
	v8 =	vadd.f32 v10, v8;
	v10 =	vadd.f32 v11, v61  }
0x181: {  	v7 =	vmul.f32 v63, v7  }
0x182: {  	v11 =	vand.u32 $0xFFFF0000, v58;
	[tilespmem:v6+s8+$0x2110 ss:$0x1] =	vst.idx.msk $0xffff, v10  }
0x183: {  	v8 =	vadd.f32 v7, v8;
	v9 =	vmul.f32 v11, v9;
	v7 =	vld.idx.msk [tilespmem:v6+s8+$0x4510 ss:$0x1], $0xffff;
	_ =	sdelay $0x1  }
0x184: {  	s4 =	simm.s32 $0x0;
	s0 =	simm.s32 $0x80;
	v8 =	vadd.f32 v9, v8  }
.LBB2_24:
0x185: {  	_ = 	snop  }
0x186: {  	p2 =	sne.s32 s0, $0x280  }
0x187: {  	s4 =	sadd.s32 $0x20, s4;
	s3 =	smov.u32 s0;
	s0 =	sadd.s32 $0x80, s0;
	v7 =	vadd.f32 v7, v8  }
0x188: {  	_ = 	snop  }
0x189: {  	[tilespmem:v6+s8+$0x4510 ss:$0x1] =	vst.idx.msk $0xffff, v7;
	s8 =	sshra.s32 s3, $0x2  }
0x18a: {  	v7 =	vld.idx.msk [tilespmem:v2+s8+$0x0 ss:$0x1], $0xffff  }
0x18b: {  	v8 =	vld.idx.msk [tilespmem:v3+s8+$0x0 ss:$0x1], $0xffff;
	_ =	sdelay $0x1  }
0x18c: {  	v9 =	vld.idx.msk [tilespmem:v4+s8+$0x0 ss:$0x1], $0xffff  }
0x18d: {  	s6 =	sand.u32 $0x60, s4;
	s3 =	sadd.s32 s4, s20  }
0x18e: {  	s17 =	sand.u32 $0x3F80, s3;
	s19 =	sadd.s32 $0x180, s3;
	s3 =	sadd.s32 $0x300, s3  }
0x18f: {  	s30 =	sadd.s32 $0x1B000, s17;
	s17 =	sand.u32 $0x7F80, s19;
	s3 =	sand.u32 $0x7F80, s3  }
0x190: {  	s21 =	sor.u32 s6, s30;
	s19 =	sadd.s32 $0x1B000, s17;
	s17 =	sadd.s32 $0x1B000, s3;
	v7 =	vmul.f32 v8, v7;
	v10 =	vld.idx.msk [tilespmem:v5+s8+$0xFFFFFE80 ss:$0x1], $0xffff  }
0x191: {  	s3 =	sor.u32 s6, s19;
	s6 =	sor.u32 s6, s17;
	v11 =	vld [tilespmem:s21+$0x0]  }
0x192: {  	v8 =	vsub.f32 v8, v7;
	v12 =	vmul.f32 v7, v9;
	v13 =	vld.idx.msk [tilespmem:v5+s8+$0x0 ss:$0x1], $0xffff;
	_ =	sdelay $0x1  }
0x193: {  	v9 =	vmul.f32 v8, v9;
	v7 =	vsub.f32 v7, v12  }
0x194: {  	v14 =	vld [tilespmem:s6+$0x0]  }
0x195: {  	v8 =	vsub.f32 v8, v9;
	v16 =	vand.u32 $0xFFFF0000, v10;
	v15 =	vshll.u32 v11, $0x10  }
0x196: {  	v11 =	vand.u32 $0xFFFF0000, v11;
	v16 =	vmul.f32 v16, v9  }
0x197: {  	v17 =	vshll.u32 v13, $0x10;
	v15 =	vmul.f32 v15, v8;
	v11 =	vmul.f32 v11, v8  }
0x198: {  	v13 =	vand.u32 $0xFFFF0000, v13;
	v17 =	vmul.f32 v17, v7;
	v18 =	vld.idx.msk [tilespmem:v6+s8+$0xFFFFFD00 ss:$0x1], $0xffff  }
0x199: {  	v13 =	vmul.f32 v13, v7;
	v15 =	vadd.f32 v16, v15;
	v19 =	vld [tilespmem:s3+$0x0];
	v20 =	vand.u32 $0xFFFF0000, v14  }
0x19a: {  	v16 =	vmul.f32 v20, v12  }
0x19b: {  	v15 =	vadd.f32 v17, v15  }
0x19c: {  	v17 =	vld.idx.msk [tilespmem:v5+s8+$0x180 ss:$0x1], $0xffff  }
0x19d: {  	v10 =	vshll.u32 v10, $0x10;
	v14 =	vshll.u32 v14, $0x10;
	v15 =	vadd.f32 v16, v15  }
0x19e: {  	v8 =	vmul.f32 v10, v8;
	v16 =	vshll.u32 v19, $0x10;
	v19 =	vand.u32 $0xFFFF0000, v19  }
0x19f: {  	v10 =	vadd.f32 v15, v18;
	v15 =	vmul.f32 v16, v9;
	v9 =	vmul.f32 v19, v9  }
0x1a0: {  	v7 =	vmul.f32 v14, v7  }
0x1a1: {  	[tilespmem:v6+s8+$0xFFFFFD00 ss:$0x1] =	vst.idx.msk $0xffff, v10;
	v10 =	vadd.f32 v15, v11;
	v8 =	vadd.f32 v9, v8  }
0x1a2: {  	v9 =	vshll.u32 v17, $0x10;
	v11 =	vld.idx.msk [tilespmem:v6+s8+$0x2100 ss:$0x1], $0xffff  }
0x1a3: {  	v9 =	vmul.f32 v9, v12;
	v10 =	vadd.f32 v13, v10;
	v7 =	vadd.f32 v7, v8;
	_ =	sdelay $0x1  }
0x1a4: {  	v8 =	vadd.f32 v9, v10;
	_ =	sdelay $0x2  }
0x1a5: {  	v8 =	vadd.f32 v8, v11;
	_ =	sdelay $0x1  }
0x1a6: {  	[tilespmem:v6+s8+$0x2100 ss:$0x1] =	vst.idx.msk $0xffff, v8  }
0x1a7: {  	v8 =	vand.u32 $0xFFFF0000, v17;
	v9 =	vld.idx.msk [tilespmem:v6+s8+$0x4500 ss:$0x1], $0xffff  }
0x1a8: {  	v8 =	vmul.f32 v8, v12;
	_ =	sdelay $0x1  }
0x1a9: {  	v7 =	vadd.f32 v8, v7;
	_ =	sdelay $0x2  }
0x1aa: {  	v7 =	vadd.f32 v9, v7;
	_ =	sdelay $0x1  }
0x1ab: {  	[tilespmem:v6+s8+$0x4500 ss:$0x1] =	vst.idx.msk $0xffff, v7  }
0x1ac: {  	v7 =	vld.idx.msk [tilespmem:v2+s8+$0x10 ss:$0x1], $0xffff  }
0x1ad: {  	v8 =	vld.idx.msk [tilespmem:v3+s8+$0x10 ss:$0x1], $0xffff  }
0x1ae: {  	v9 =	vld.idx.msk [tilespmem:v5+s8+$0xFFFFFE90 ss:$0x1], $0xffff  }
0x1af: {  	v10 =	vld.idx.msk [tilespmem:v4+s8+$0x10 ss:$0x1], $0xffff  }
0x1b0: {  	s3 =	sadd.s32 $0x10, s4;
	v11 =	vld.idx.msk [tilespmem:v5+s8+$0x10 ss:$0x1], $0xffff  }
0x1b1: {  	s3 =	sand.u32 $0x70, s3;
	v12 =	vld.idx.msk [tilespmem:v5+s8+$0x190 ss:$0x1], $0xffff  }
0x1b2: {  	s6 =	sor.u32 s3, s30  }
0x1b3: {  	v7 =	vmul.f32 v8, v7;
	v13 =	vld [tilespmem:s6+$0x0];
	_ =	sdelay $0x1  }
0x1b4: {  	s6 =	sor.u32 s3, s19;
	v8 =	vsub.f32 v8, v7;
	v14 =	vmul.f32 v7, v10  }
0x1b5: {  	s3 =	sor.u32 s3, s17;
	v15 =	vld [tilespmem:s6+$0x0]  }
0x1b6: {  	v10 =	vmul.f32 v8, v10;
	v7 =	vsub.f32 v7, v14;
	v16 =	vld [tilespmem:s3+$0x0]  }
0x1b7: {  	v18 =	vand.u32 $0xFFFF0000, v9;
	v17 =	vshll.u32 v13, $0x10  }
0x1b8: {  	v8 =	vsub.f32 v8, v10;
	v18 =	vmul.f32 v18, v10  }
0x1b9: {  	v9 =	vshll.u32 v9, $0x10;
	v19 =	vshll.u32 v11, $0x10;
	v13 =	vand.u32 $0xFFFF0000, v13  }
0x1ba: {  	v19 =	vmul.f32 v19, v7;
	v17 =	vmul.f32 v17, v8;
	v20 =	vshll.u32 v15, $0x10;
	v21 =	vld.idx.msk [tilespmem:v6+s8+$0xFFFFFD10 ss:$0x1], $0xffff  }
0x1bb: {  	v13 =	vmul.f32 v13, v8;
	v22 =	vand.u32 $0xFFFF0000, v16;
	v20 =	vmul.f32 v20, v10  }
0x1bc: {  	v11 =	vand.u32 $0xFFFF0000, v11;
	v17 =	vadd.f32 v18, v17;
	v18 =	vmul.f32 v22, v14  }
0x1bd: {  	v11 =	vmul.f32 v11, v7;
	v15 =	vand.u32 $0xFFFF0000, v15;
	v13 =	vadd.f32 v20, v13  }
0x1be: {  	v8 =	vmul.f32 v9, v8;
	v9 =	vmul.f32 v15, v10;
	v17 =	vadd.f32 v19, v17  }
0x1bf: {  	v10 =	vshll.u32 v16, $0x10;
	v11 =	vadd.f32 v11, v13  }
0x1c0: {  	v7 =	vmul.f32 v10, v7;
	v8 =	vadd.f32 v9, v8;
	v13 =	vadd.f32 v18, v17;
	_ =	sdelay $0x1  }
0x1c1: {  	v8 =	vadd.f32 v7, v8;
	v9 =	vadd.f32 v13, v21;
	_ =	sdelay $0x1  }
0x1c2: {  	v7 =	vshll.u32 v12, $0x10;
	[tilespmem:v6+s8+$0xFFFFFD10 ss:$0x1] =	vst.idx.msk $0xffff, v9  }
0x1c3: {  	v7 =	vmul.f32 v7, v14;
	v9 =	vld.idx.msk [tilespmem:v6+s8+$0x2110 ss:$0x1], $0xffff;
	_ =	sdelay $0x1  }
0x1c4: {  	v7 =	vadd.f32 v7, v11;
	_ =	sdelay $0x3  }
0x1c5: {  	v7 =	vadd.f32 v7, v9  }
.Ltmp15:
0x1c6: {  	(pc) =	sbr.rel @p2 .LBB2_24-.Ltmp15, $3  }
0x1c7: {  	v9 =	vand.u32 $0xFFFF0000, v12;
	[tilespmem:v6+s8+$0x2110 ss:$0x1] =	vst.idx.msk $0xffff, v7  }
0x1c8: {  	v9 =	vmul.f32 v9, v14;
	v7 =	vld.idx.msk [tilespmem:v6+s8+$0x4510 ss:$0x1], $0xffff;
	_ =	sdelay $0x1  }
0x1c9: {  	v8 =	vadd.f32 v9, v8  }
0x1ca: {  	s9 =	sadd.s32 $0x1, s9  }
0x1cb: {  	p2 =	sne.s32 s9, $0x4  }
.Ltmp16:
0x1cc: {  	_ = 	snop;
	(pc) =	sbr.rel @p2 .LBB2_23-.Ltmp16, $4  }
.Ltmp17:
0x1cd: {  	_ = 	snop;
	(pc) =	sbr.rel @!p2 .LBB2_26-.Ltmp17, $4  }
0x1ce: {  	v2 =	vadd.f32 v7, v8  }
0x1cf: {  	s18 =	sadd.s32 $0xC0, s18;
	s20 =	sadd.s32 $0x480, s20;
	s29 =	sadd.s32 $0xC0, s29  }
0x1d0: {  	s23 =	sadd.s32 $0xC0, s23;
	s24 =	sadd.s32 $0xC0, s24;
	s25 =	sadd.s32 $0x480, s25;
	[tilespmem:v6+s8+$0x4510 ss:$0x1] =	vst.idx.msk $0xffff, v2  }
0x1d1: {  	_ = 	snop  }
.LBB2_28:
0x1d2: {  	s0 =	simm.s32 $0x0  }
0x1d3: {  	s0 =	smulhi.u32 $0xAAAAAAAB, s0;
	_ =	sdelay $0x1  }
0x1d4: {  	s0 =	sshrl.u32 s0, $0x3  }
0x1d5: {  	s1 =	simm.s32 $0x1;
	s0 =	smul.u32 $0x21C00, s0  }
0x1d6: {  	s5 =	rddreg [dreg:$0xf];
	s1 =	smulhi.u32 $0xAAAAAAAB, s1  }
0x1d7: {  	s17 =	rddreg [dreg:$0x6];
	s0 =	sadd.s32 s0, s5  }
0x1d8: {  	s16 =	simm.s32 $0x0;
	s1 =	sshrl.u32 s1, $0x3;
	s3 =	sshrl.u32 s0, $0x3  }
0x1d9: {  	s4 =	smul.u32 $0x21C00, s1;
	s0 =	simm.s32 $0x14400;
	s3 =	sadd.s32 s17, s3  }
0x1da: {  	[hbm4b:s3+s16] =	stream.linear.scatter [tilespmem:s0], [sflag:$0x2], $0x300, $0x38;
	[tilespmem:$0x1E900] =	vst v63  }
0x1db: {  	s1 =	sadd.s32 $0x300, s5;
	s3 =	simm.s32 $0x2  }
.LBB2_29:
0x1dc: {  	s5 =	smulhi.u32 $0xAAAAAAAB, s3;
	s4 =	sadd.s32 s4, s1  }
0x1dd: {  	_ =	swait.ge [sflag:s22], $0x300;
	s0 =	sadd.s32 $0x300, s0;
	p1 =	sne.s32 s3, $0x23  }
.Ltmp18:
0x1de: {  	s4 =	sshrl.u32 s4, $0x3;
	[sflag:s22] =	ssyncset.done $0x0;
	(pc) =	sbr.rel @p1 .LBB2_29-.Ltmp18, $4  }
0x1df: {  	s5 =	sshrl.u32 s5, $0x3;
	s4 =	sadd.s32 s17, s4;
	[sflag:s22] =	ssyncadd.s32 $0xFFFFFD00  }
0x1e0: {  	[hbm4b:s4+s16] =	stream.linear.scatter [tilespmem:s0], [sflag:$0x2], $0x300, $0x38;
	[tilespmem:$0x1E900] =	vst v63  }
0x1e1: {  	s3 =	sadd.s32 $0x1, s3;
	s4 =	smul.u32 $0x21C00, s5  }
0x1e2: {  	s1 =	sadd.s32 $0x300, s1  }
0x1e3: {  	s1 =	sadd.s32 s4, s1;
	_ =	swait.ge [sflag:s22], $0x300  }
0x1e4: {  	s1 =	sshrl.u32 s1, $0x3;
	[sflag:s22] =	ssyncset.done $0x0  }
0x1e5: {  	s0 =	sadd.s32 $0x300, s0;
	s1 =	sadd.s32 s17, s1;
	[sflag:s22] =	ssyncadd.s32 $0xFFFFFD00  }
0x1e6: {  	[hbm4b:s1+s16] =	stream.linear.scatter [tilespmem:s0], [sflag:$0x2], $0x300, $0x38;
	[tilespmem:$0x1E900] =	vst v63  }
0x1e7: {  	_ =	swait.ge [sflag:s22], $0x300  }
0x1e8: {  	s30 =	rddreg [dreg:$0x10]  }
0x1e9: {  	s31 =	rddreg [dreg:$0xb];
	s1 =	sadd.s32 $0x1, s30  }
0x1ea: {  	p1 =	sne.s32 s1, s31  }
.Ltmp19:
0x1eb: {  	_ = 	snop;
	(pc) =	sbr.rel @p1 .LBB2_1-.Ltmp19, $3  }
0x1ec: {  	_ =	sdelay $0x1  }
0x1ed: {  	[sflag:s22] =	ssyncset.done $0x0;
	s9 =	rddreg [dreg:$0xc]  }
0x1ee: {  	s6 =	simm.s32 $0x1B000;
	s7 =	rddreg [dreg:$0xe];
	[sflag:s22] =	ssyncadd.s32 $0xFFFFFD00  }
0x1ef: {  	_ =	sfence.sel $0x180000  }
0x1f0: {  	[bflag:$0x0] =	sbarrier.arrive $0xFFFF  }
0x1f1: {  	_ =	strace $0x90000047  }
0x1f2: {  	s0 =	stileid.u32;
	[bflag:$0x2] =	sbarrier.arrive $0xFFFF  }
0x1f3: {  	p0 =	sne.s32 s0, $0x0;
	s0 =	rddreg [dreg:$0x3]  }
0x1f4: {  	s0 =	sadd.s32 @!p0 $0x100000, s0  }
0x1f5: {  	[sflag:s0] =	ssyncadd.tile.s32 @!p0 $0x1;
	_ =	shalt  }
.Lfunc_end2:
_tile_overlayer_lowered:
.L_overlay_start_2:
0x1f6: {  	(tag) =	ssettag $0x2  }
0x1f7: {  	s0 =	rddreg [dreg:$0x0];
	s2 =	stileid.u32  }
0x1f8: {  	s1 =	rddreg [dreg:$0x1];
	p0 =	sne.s32 s2, $0x0  }
0x1f9: {  	s3 =	rddreg [dreg:$0x2];
	[bflag:$0x3] =	sbarrier.arrive $0xFFFF;
	s2 =	simm.s32 @!p0 $0x1C02  }
0x1fa: {  	[timem:s3], [sflag:s2] =	dma.local @!p0 [hbm:s0], s1  }
0x1fb: {  	s0 =	simm.s32 @!p0 $0x2  }
0x1fc: {  	_ =	swait.ge @!p0 [sflag:s0], s1  }
0x1fd: {  	s1 =	ssub.s32 @!p0 $0x0, s1;
	[sflag:s0] =	ssyncset.done @!p0 $0x0  }
0x1fe: {  	[sflag:s0] =	ssyncadd.s32 @!p0 s1  }
0x1ff: {  	[bflag:$0x3] =	sbarrier.arrive $0xFFFF  }
0x200: {  	_ =	shalt  }

</sc_bundles>
